<compile_context>
chip_gen: v7x
topology: tpu7x:2x2x1
jax: 0.10.2.dev20260603
libtpu: 0.0.44.dev20260713+nightly
codegen_flags: <defaults>
</compile_context>

<pallas_src>
import jax
import jax.numpy as jnp
from jax import lax
from jax.experimental import pallas as pl
from jax.experimental.pallas import tpu as pltpu
from jax.experimental.pallas import tpu_sc as plsc

B, N, K = 16, 10000, 32
TAU = 3.0
FIX = 0.2
L = 16
C = 512
HALF0 = 5008
NCHUNK = 10


def _rsqrt_nr(x):
    i = plsc.bitcast(x, jnp.int32)
    y = plsc.bitcast(jnp.int32(0x5F3759DF) - (i >> 1), jnp.float32)
    hx = x * jnp.float32(-0.5)
    for _ in range(1):
        y = y * (jnp.float32(1.5) + hx * y * y)
    return y


def _rvo_body(tbl_hbm, idx_hbm, thr2_hbm, out_hbm,
              px, py, vx, vy, dx, dy, idxbuf, sumx, sumy, outbuf, thrv,
              insem, outsem):
    nc = 2
    wid = lax.axis_index("s") * nc + lax.axis_index("c")
    b = wid // 2
    half = wid % 2
    base = half * HALF0
    ln = jnp.where(half == 0, HALF0, N - HALF0)

    def chunk_start(ci):
        return base + jnp.minimum(ci * C, ln - C)

    def idx_copy(ci, slot):
        return pltpu.make_async_copy(
            idx_hbm.at[b, pl.ds(chunk_start(ci), C), :],
            idxbuf.at[slot], insem.at[slot])

    def out_copy(ci, slot):
        return pltpu.make_async_copy(
            outbuf.at[slot],
            out_hbm.at[b, pl.ds(chunk_start(ci), C), :], outsem.at[slot])

    pltpu.sync_copy(tbl_hbm.at[b, 0], px.at[pl.ds(0, N)])
    pltpu.sync_copy(tbl_hbm.at[b, 1], py.at[pl.ds(0, N)])
    pltpu.sync_copy(tbl_hbm.at[b, 2], vx.at[pl.ds(0, N)])
    pltpu.sync_copy(tbl_hbm.at[b, 3], vy.at[pl.ds(0, N)])
    pltpu.sync_copy(tbl_hbm.at[b, 4], dx.at[pl.ds(0, N)])
    pltpu.sync_copy(tbl_hbm.at[b, 5], dy.at[pl.ds(0, N)])
    pltpu.sync_copy(thr2_hbm, thrv)
    thr2 = thrv[:]

    zero = jnp.zeros((L,), jnp.float32)
    col0 = jnp.zeros((L,), jnp.int32)
    col1 = jnp.ones((L,), jnp.int32)
    iota = lax.iota(jnp.int32, L)
    lane_last = iota == jnp.int32(L - 1)

    idx_copy(0, 0).start()

    def chunk_body(ci, carry):
        cur = lax.rem(ci, 2)
        cs = chunk_start(ci)

        @pl.when(ci + 1 < NCHUNK)
        def _():
            idx_copy(ci + 1, 1 - cur).start()

        idx_copy(ci, cur).wait()

        @pl.when(ci >= 2)
        def _():
            out_copy(ci - 2, cur).wait()

        @plsc.parallel_loop(0, C, unroll=2)
        def dest_body(dloc):
            n = cs + dloc
            pxn = jnp.full((L,), px[pl.ds(n, L)][0])
            pyn = jnp.full((L,), py[pl.ds(n, L)][0])
            vdx = jnp.full((L,), dx[pl.ds(n, L)][0])
            vdy = jnp.full((L,), dy[pl.ds(n, L)][0])
            accx = zero
            accy = zero
            for h in range(K // L):
                iv = idxbuf[cur, dloc, pl.ds(h * L, L)]
                gx = plsc.load_gather(px, [iv])
                gy = plsc.load_gather(py, [iv])
                hx = plsc.load_gather(vx, [iv])
                hy = plsc.load_gather(vy, [iv])
                rpx = pxn - gx
                rpy = pyn - gy
                rvx = vdx - hx
                rvy = vdy - hy
                dpv = rpx * rvx + rpy * rvy
                dvv = rvx * rvx + rvy * rvy
                t = dpv / dvv
                t = jnp.minimum(jnp.maximum(t, jnp.float32(0.0)),
                                jnp.float32(TAU))
                q = rpx * rpx + rpy * rpy
                d2 = q + t * ((dpv + dpv) + t * dvv)
                rs = _rsqrt_nr(q)
                f = jnp.where(d2 < thr2, rs, jnp.float32(0.0))
                accx = accx - rpy * f
                accy = accy + rpx * f
            didx = jnp.full((L,), dloc, jnp.int32)
            plsc.store_scatter(sumx, [didx], plsc.cumsum(accx),
                               mask=lane_last)
            plsc.store_scatter(sumy, [didx], plsc.cumsum(accy),
                               mask=lane_last)

        def grp_body(g, carry3):
            sl = pl.ds(g * L, L)
            vnx = dx[pl.ds(cs + g * L, L)] + jnp.float32(FIX) * sumx[sl]
            vny = dy[pl.ds(cs + g * L, L)] + jnp.float32(FIX) * sumy[sl]
            rows = g * L + iota
            plsc.store_scatter(outbuf.at[cur], [rows, col0], vnx)
            plsc.store_scatter(outbuf.at[cur], [rows, col1], vny)
            return carry3

        lax.fori_loop(0, C // L, grp_body, 0)
        out_copy(ci, cur).start()
        return carry

    lax.fori_loop(0, NCHUNK, chunk_body, 0)
    out_copy(NCHUNK - 2, 0).wait()
    out_copy(NCHUNK - 1, 1).wait()


@jax.jit
def _rvo_call(tbl, idx, thr2):
    mesh = plsc.VectorSubcoreMesh(core_axis_name="c", subcore_axis_name="s")
    f = pl.kernel(
        _rvo_body,
        out_type=jax.ShapeDtypeStruct((B, N, 2), jnp.float32),
        mesh=mesh,
        scratch_types=[
            pltpu.VMEM((N + L,), jnp.float32),
            pltpu.VMEM((N + L,), jnp.float32),
            pltpu.VMEM((N + L,), jnp.float32),
            pltpu.VMEM((N + L,), jnp.float32),
            pltpu.VMEM((N + L,), jnp.float32),
            pltpu.VMEM((N + L,), jnp.float32),
            pltpu.VMEM((2, C, K), jnp.int32),
            pltpu.VMEM((C,), jnp.float32),
            pltpu.VMEM((C,), jnp.float32),
            pltpu.VMEM((2, C, 2), jnp.float32),
            pltpu.VMEM((L,), jnp.float32),
            pltpu.SemaphoreType.DMA((2,)),
            pltpu.SemaphoreType.DMA((2,)),
        ],
        compiler_params=pltpu.CompilerParams(needs_layout_passes=False,
                                             use_tc_tiling_on_sc=False),
    )
    return f(tbl, idx, thr2)


def kernel(p_cur, v_cur, v_desire, near_ped_idx, neigh_ped_mask,
           collision_threshold):
    del neigh_ped_mask
    tbl = jnp.stack(
        [p_cur[..., 0], p_cur[..., 1],
         v_cur[..., 0], v_cur[..., 1],
         v_desire[..., 0], v_desire[..., 1]], axis=1)
    thr = jnp.asarray(collision_threshold, jnp.float32)
    thr2 = jnp.full((L,), thr * thr, jnp.float32)
    idx = near_ped_idx.astype(jnp.int32)
    return _rvo_call(tbl, idx, thr2)

# --- scband reference (transcript-rebuilt; emitter-appended) ---
"""Pipeline reference for scband-rvomodule-35424890257858 (READ-ONLY COPY).

The authoritative reference and input builder live on the scoring server;
editing this copy changes nothing except your own understanding.
"""

import jax, jax.numpy as jnp
import numpy as np

B, N, K = 16, 10000, 32
TAU = 3.0
FIX = 0.2


def setup_inputs(seed: int = 0) -> dict:
    key = jax.random.key(seed)
    k1, k2, k3, k4 = jax.random.split(key, 4)
    p_cur = jax.random.normal(k1, (B, N, 2), dtype=jnp.float32)
    v_cur = jax.random.normal(k2, (B, N, 2), dtype=jnp.float32)
    v_desire = jax.random.normal(k3, (B, N, 2), dtype=jnp.float32)
    near_ped_idx = jax.random.randint(k4, (B, N, K), 0, N)
    neigh_ped_mask = jnp.ones((B, N, K), dtype=jnp.float32)
    collision_threshold = 1.0
    return {
        "p_cur": p_cur,
        "v_cur": v_cur,
        "v_desire": v_desire,
        "near_ped_idx": near_ped_idx,
        "neigh_ped_mask": neigh_ped_mask,
        "collision_threshold": collision_threshold,
    }


def reference(p_cur, v_cur, v_desire, near_ped_idx, neigh_ped_mask, collision_threshold):
    # gather neighbor positions/velocities: out[b,n,k,:] = p_cur[b, idx[b,n,k], :]
    idx = near_ped_idx[:, :, :, None]  # (B, N, K, 1)
    valid_neighbors_pos = jnp.take_along_axis(p_cur[:, None, :, :], idx, axis=2)  # (B,N,K,2)
    valid_neighbors_vel = jnp.take_along_axis(v_cur[:, None, :, :], idx, axis=2)  # (B,N,K,2)
    mask = neigh_ped_mask[..., None]
    valid_neighbors_pos = valid_neighbors_pos * mask
    valid_neighbors_vel = valid_neighbors_vel * mask
    rel_pos = p_cur[:, :, None, :] - valid_neighbors_pos
    rel_vel = v_desire[:, :, None, :] - valid_neighbors_vel
    dot_pos_vel = jnp.sum(rel_pos * rel_vel, axis=-1)
    dot_vel_vel = jnp.sum(rel_vel * rel_vel, axis=-1) + 1e-06
    t_min = dot_pos_vel / (dot_vel_vel + 1e-06)
    t_min = jnp.where(jnp.isnan(t_min), jnp.full_like(t_min, TAU), t_min)
    t_clamp = jnp.clip(t_min, 0.0, TAU)
    min_dist = jnp.linalg.norm(rel_pos + t_clamp[..., None] * rel_vel, axis=-1)
    min_dist = jnp.where(jnp.isnan(min_dist), jnp.full_like(min_dist, 1000000.0), min_dist)
    collision_mask = (min_dist < collision_threshold) & neigh_ped_mask.astype(bool)
    normal = jnp.stack([-rel_pos[..., 1], rel_pos[..., 0]], axis=-1)
    denom = jnp.linalg.norm(normal, axis=-1, keepdims=True)
    normal = jnp.where(collision_mask[..., None], normal / (denom + 1e-06), jnp.zeros_like(normal))
    correction = jnp.sum(normal, axis=2)
    correction = jnp.nan_to_num(correction, nan=0.0)
    v_next = v_desire + correction * FIX
    return v_next


if False:  # reference __main__ guard neutralized (emitter)
    out = reference(**setup_inputs())
    print(out.shape, out.dtype)

if __name__ == "__main__":
    import jax
    _d = setup_inputs()
    print(jax.jit(kernel)(*tuple(_d.values())))

</pallas_src>

<mosaic_0001>
#map = affine_map<(d0, d1) -> (0, 0, 0)>
#map1 = affine_map<(d0, d1) -> (0)>
module attributes {stable_mosaic.version = 14 : i64} {
  func.func @_rvo_body(%arg0: i32, %arg1: i32, %arg2: memref<16x6x10000xf32, #tpu.memory_space<hbm>>, %arg3: memref<16x10000x32xi32, #tpu.memory_space<hbm>>, %arg4: memref<16xf32, #tpu.memory_space<hbm>>, %arg5: memref<16x10000x2xf32, #tpu.memory_space<hbm>>, %arg6: memref<10016xf32, #tpu.memory_space<vmem>>, %arg7: memref<10016xf32, #tpu.memory_space<vmem>>, %arg8: memref<10016xf32, #tpu.memory_space<vmem>>, %arg9: memref<10016xf32, #tpu.memory_space<vmem>>, %arg10: memref<10016xf32, #tpu.memory_space<vmem>>, %arg11: memref<10016xf32, #tpu.memory_space<vmem>>, %arg12: memref<2x512x32xi32, #tpu.memory_space<vmem>>, %arg13: memref<512xf32, #tpu.memory_space<vmem>>, %arg14: memref<512xf32, #tpu.memory_space<vmem>>, %arg15: memref<2x512x2xf32, #tpu.memory_space<vmem>>, %arg16: memref<16xf32, #tpu.memory_space<vmem>>, %arg17: memref<2x!tpu.dma_semaphore, #tpu.memory_space<semaphore_mem>>, %arg18: memref<2x!tpu.dma_semaphore, #tpu.memory_space<semaphore_mem>>) attributes {dimension_semantics = [#tpu.dimension_semantics<core_parallel>, #tpu.dimension_semantics<subcore_parallel>], iteration_bounds = array<i64: 2, 16>, scalar_prefetch = 0 : i64, scratch_operands = 13 : i64, tpu.core_type = #tpu.core_type<sc_vector_subcore>, window_params = [{transform_indices = #map}, {transform_indices = #map}, {transform_indices = #map1}, {transform_indices = #map}]} {
    %mul3A = arith.constant 2 : i32
    %mul3A_0 = arith.muli %arg1, %mul3A : i32
    %add3A = arith.addi %mul3A_0, %arg0 : i32
    %jit3A = arith.constant 2 : i32
    %div3A = arith.divsi %add3A, %jit3A : i32
    %sign3A = arith.constant 0 : i32
    %sign3A_1 = arith.cmpi sgt, %add3A, %sign3A : i32
    %sign3A_2 = arith.extui %sign3A_1 : i1 to i32
    %sign3A_3 = arith.constant 0 : i32
    %sign3A_4 = arith.cmpi slt, %add3A, %sign3A_3 : i32
    %sign3A_5 = arith.extui %sign3A_4 : i1 to i32
    %sign3A_6 = arith.subi %sign3A_2, %sign3A_5 : i32
    %sign3A_7 = arith.constant 0 : i32
    %sign3A_8 = arith.cmpi sgt, %jit3A, %sign3A_7 : i32
    %sign3A_9 = arith.extui %sign3A_8 : i1 to i32
    %sign3A_10 = arith.constant 0 : i32
    %sign3A_11 = arith.cmpi slt, %jit3A, %sign3A_10 : i32
    %sign3A_12 = arith.extui %sign3A_11 : i1 to i32
    %sign3A_13 = arith.subi %sign3A_9, %sign3A_12 : i32
    %ne3A = arith.cmpi ne, %sign3A_6, %sign3A_13 : i32
    %rem3A = arith.remsi %add3A, %jit3A : i32
    %ne3A_14 = arith.constant 0 : i32
    %ne3A_15 = arith.cmpi ne, %rem3A, %ne3A_14 : i32
    %and3A = arith.andi %ne3A, %ne3A_15 : i1
    %sub3A = arith.constant 1 : i32
    %sub3A_16 = arith.subi %div3A, %sub3A : i32
    %select_n3A = arith.select %and3A, %sub3A_16, %div3A : i32
    %jit3A_17 = arith.constant 2 : i32
    %eq3A = arith.constant 0 : i32
    %eq3A_18 = arith.cmpi eq, %jit3A_17, %eq3A : i32
    %jit3A_19 = arith.constant 1 : i32
    %select_n3A_20 = arith.select %eq3A_18, %jit3A_19, %jit3A_17 : i32
    %rem3A_21 = arith.remsi %add3A, %select_n3A_20 : i32
    %ne3A_22 = arith.constant 0 : i32
    %ne3A_23 = arith.cmpi ne, %rem3A_21, %ne3A_22 : i32
    %lt3A = arith.constant 0 : i32
    %lt3A_24 = arith.cmpi slt, %rem3A_21, %lt3A : i32
    %lt3A_25 = arith.constant 0 : i32
    %lt3A_26 = arith.cmpi slt, %select_n3A_20, %lt3A_25 : i32
    %ne3A_27 = arith.xori %lt3A_24, %lt3A_26 : i1
    %and3A_28 = arith.andi %ne3A_27, %ne3A_23 : i1
    %add3A_29 = arith.addi %rem3A_21, %select_n3A_20 : i32
    %select_n3A_30 = arith.select %and3A_28, %add3A_29, %rem3A_21 : i32
    %mul3A_31 = arith.constant 5008 : i32
    %mul3A_32 = arith.muli %select_n3A_30, %mul3A_31 : i32
    %eq3A_33 = arith.constant 0 : i32
    %eq3A_34 = arith.cmpi eq, %select_n3A_30, %eq3A_33 : i32
    %jit3A_35 = arith.constant 5008 : i32
    %jit3A_36 = arith.constant 4992 : i32
    %select_n3A_37 = arith.select %eq3A_34, %jit3A_35, %jit3A_36 : i32
    %run_scoped3A = arith.constant 0 : i32
    "tpu.region"() ({
      %run_scoped3A_123 = tpu.sem_alloc : memref<!tpu.dma_semaphore, #tpu.memory_space<semaphore_mem>>
      %dma_start3A_124 = arith.constant 0 : i32
      %dma_start3A_125 = tpu.memref_slice %arg6[%dma_start3A_124] : memref<10016xf32, #tpu.memory_space<vmem>> -> memref<10000xf32, #tpu.memory_space<vmem>>
      %dma_start3A_126 = arith.constant 0 : i32
      %dma_start3A_127 = tpu.memref_slice %arg2[%select_n3A, %run_scoped3A, %dma_start3A_126] : memref<16x6x10000xf32, #tpu.memory_space<hbm>> -> memref<1x1x10000xf32, #tpu.memory_space<hbm>>
      %dma_start3A_128 = tpu.memref_squeeze %dma_start3A_127 : memref<1x1x10000xf32, #tpu.memory_space<hbm>> -> memref<10000xf32, #tpu.memory_space<hbm>>
      %dma_start3A_129 = arith.constant 0 : i32
      %dma_start3A_130 = tpu.memref_slice %arg6[%dma_start3A_129] : memref<10016xf32, #tpu.memory_space<vmem>> -> memref<10000xf32, #tpu.memory_space<vmem>>
      %dma_start3A_131 = arith.constant 0 : i32
      %dma_start3A_132 = tpu.memref_slice %arg2[%select_n3A, %run_scoped3A, %dma_start3A_131] : memref<16x6x10000xf32, #tpu.memory_space<hbm>> -> memref<1x1x10000xf32, #tpu.memory_space<hbm>>
      %dma_start3A_133 = tpu.memref_squeeze %dma_start3A_132 : memref<1x1x10000xf32, #tpu.memory_space<hbm>> -> memref<10000xf32, #tpu.memory_space<hbm>>
      tpu.enqueue_dma source(%dma_start3A_133 : memref<10000xf32, #tpu.memory_space<hbm>>) target(%dma_start3A_130 : memref<10000xf32, #tpu.memory_space<vmem>>) target_semaphore(%run_scoped3A_123 : memref<!tpu.dma_semaphore, #tpu.memory_space<semaphore_mem>>)
      %dma_wait3A_134 = arith.constant 0 : i32
      %dma_wait3A_135 = tpu.memref_slice %arg6[%dma_wait3A_134] : memref<10016xf32, #tpu.memory_space<vmem>> -> memref<10000xf32, #tpu.memory_space<vmem>>
      %dma_wait3A_136 = arith.constant 0 : i32
      %dma_wait3A_137 = tpu.memref_slice %arg2[%select_n3A, %run_scoped3A, %dma_wait3A_136] : memref<16x6x10000xf32, #tpu.memory_space<hbm>> -> memref<1x1x10000xf32, #tpu.memory_space<hbm>>
      %dma_wait3A_138 = tpu.memref_squeeze %dma_wait3A_137 : memref<1x1x10000xf32, #tpu.memory_space<hbm>> -> memref<10000xf32, #tpu.memory_space<hbm>>
      %dma_wait3A_139 = arith.constant 0 : i32
      %dma_wait3A_140 = tpu.memref_slice %arg6[%dma_wait3A_139] : memref<10016xf32, #tpu.memory_space<vmem>> -> memref<10000xf32, #tpu.memory_space<vmem>>
      %dma_wait3A_141 = arith.constant 0 : i32
      %dma_wait3A_142 = tpu.memref_slice %arg2[%select_n3A, %run_scoped3A, %dma_wait3A_141] : memref<16x6x10000xf32, #tpu.memory_space<hbm>> -> memref<1x1x10000xf32, #tpu.memory_space<hbm>>
      %dma_wait3A_143 = tpu.memref_squeeze %dma_wait3A_142 : memref<1x1x10000xf32, #tpu.memory_space<hbm>> -> memref<10000xf32, #tpu.memory_space<hbm>>
      tpu.wait_dma2 semaphore(%run_scoped3A_123 : memref<!tpu.dma_semaphore, #tpu.memory_space<semaphore_mem>>) src(%dma_wait3A_143 : memref<10000xf32, #tpu.memory_space<hbm>>) dst(%dma_wait3A_140 : memref<10000xf32, #tpu.memory_space<vmem>>)
      tpu.yield
    }) : () -> ()
    %run_scoped3A_38 = arith.constant 1 : i32
    "tpu.region"() ({
      %run_scoped3A_123 = tpu.sem_alloc : memref<!tpu.dma_semaphore, #tpu.memory_space<semaphore_mem>>
      %dma_start3A_124 = arith.constant 0 : i32
      %dma_start3A_125 = tpu.memref_slice %arg7[%dma_start3A_124] : memref<10016xf32, #tpu.memory_space<vmem>> -> memref<10000xf32, #tpu.memory_space<vmem>>
      %dma_start3A_126 = arith.constant 0 : i32
      %dma_start3A_127 = tpu.memref_slice %arg2[%select_n3A, %run_scoped3A_38, %dma_start3A_126] : memref<16x6x10000xf32, #tpu.memory_space<hbm>> -> memref<1x1x10000xf32, #tpu.memory_space<hbm>>
      %dma_start3A_128 = tpu.memref_squeeze %dma_start3A_127 : memref<1x1x10000xf32, #tpu.memory_space<hbm>> -> memref<10000xf32, #tpu.memory_space<hbm>>
      %dma_start3A_129 = arith.constant 0 : i32
      %dma_start3A_130 = tpu.memref_slice %arg7[%dma_start3A_129] : memref<10016xf32, #tpu.memory_space<vmem>> -> memref<10000xf32, #tpu.memory_space<vmem>>
      %dma_start3A_131 = arith.constant 0 : i32
      %dma_start3A_132 = tpu.memref_slice %arg2[%select_n3A, %run_scoped3A_38, %dma_start3A_131] : memref<16x6x10000xf32, #tpu.memory_space<hbm>> -> memref<1x1x10000xf32, #tpu.memory_space<hbm>>
      %dma_start3A_133 = tpu.memref_squeeze %dma_start3A_132 : memref<1x1x10000xf32, #tpu.memory_space<hbm>> -> memref<10000xf32, #tpu.memory_space<hbm>>
      tpu.enqueue_dma source(%dma_start3A_133 : memref<10000xf32, #tpu.memory_space<hbm>>) target(%dma_start3A_130 : memref<10000xf32, #tpu.memory_space<vmem>>) target_semaphore(%run_scoped3A_123 : memref<!tpu.dma_semaphore, #tpu.memory_space<semaphore_mem>>)
      %dma_wait3A_134 = arith.constant 0 : i32
      %dma_wait3A_135 = tpu.memref_slice %arg7[%dma_wait3A_134] : memref<10016xf32, #tpu.memory_space<vmem>> -> memref<10000xf32, #tpu.memory_space<vmem>>
      %dma_wait3A_136 = arith.constant 0 : i32
      %dma_wait3A_137 = tpu.memref_slice %arg2[%select_n3A, %run_scoped3A_38, %dma_wait3A_136] : memref<16x6x10000xf32, #tpu.memory_space<hbm>> -> memref<1x1x10000xf32, #tpu.memory_space<hbm>>
      %dma_wait3A_138 = tpu.memref_squeeze %dma_wait3A_137 : memref<1x1x10000xf32, #tpu.memory_space<hbm>> -> memref<10000xf32, #tpu.memory_space<hbm>>
      %dma_wait3A_139 = arith.constant 0 : i32
      %dma_wait3A_140 = tpu.memref_slice %arg7[%dma_wait3A_139] : memref<10016xf32, #tpu.memory_space<vmem>> -> memref<10000xf32, #tpu.memory_space<vmem>>
      %dma_wait3A_141 = arith.constant 0 : i32
      %dma_wait3A_142 = tpu.memref_slice %arg2[%select_n3A, %run_scoped3A_38, %dma_wait3A_141] : memref<16x6x10000xf32, #tpu.memory_space<hbm>> -> memref<1x1x10000xf32, #tpu.memory_space<hbm>>
      %dma_wait3A_143 = tpu.memref_squeeze %dma_wait3A_142 : memref<1x1x10000xf32, #tpu.memory_space<hbm>> -> memref<10000xf32, #tpu.memory_space<hbm>>
      tpu.wait_dma2 semaphore(%run_scoped3A_123 : memref<!tpu.dma_semaphore, #tpu.memory_space<semaphore_mem>>) src(%dma_wait3A_143 : memref<10000xf32, #tpu.memory_space<hbm>>) dst(%dma_wait3A_140 : memref<10000xf32, #tpu.memory_space<vmem>>)
      tpu.yield
    }) : () -> ()
    %run_scoped3A_39 = arith.constant 2 : i32
    "tpu.region"() ({
      %run_scoped3A_123 = tpu.sem_alloc : memref<!tpu.dma_semaphore, #tpu.memory_space<semaphore_mem>>
      %dma_start3A_124 = arith.constant 0 : i32
      %dma_start3A_125 = tpu.memref_slice %arg8[%dma_start3A_124] : memref<10016xf32, #tpu.memory_space<vmem>> -> memref<10000xf32, #tpu.memory_space<vmem>>
      %dma_start3A_126 = arith.constant 0 : i32
      %dma_start3A_127 = tpu.memref_slice %arg2[%select_n3A, %run_scoped3A_39, %dma_start3A_126] : memref<16x6x10000xf32, #tpu.memory_space<hbm>> -> memref<1x1x10000xf32, #tpu.memory_space<hbm>>
      %dma_start3A_128 = tpu.memref_squeeze %dma_start3A_127 : memref<1x1x10000xf32, #tpu.memory_space<hbm>> -> memref<10000xf32, #tpu.memory_space<hbm>>
      %dma_start3A_129 = arith.constant 0 : i32
      %dma_start3A_130 = tpu.memref_slice %arg8[%dma_start3A_129] : memref<10016xf32, #tpu.memory_space<vmem>> -> memref<10000xf32, #tpu.memory_space<vmem>>
      %dma_start3A_131 = arith.constant 0 : i32
      %dma_start3A_132 = tpu.memref_slice %arg2[%select_n3A, %run_scoped3A_39, %dma_start3A_131] : memref<16x6x10000xf32, #tpu.memory_space<hbm>> -> memref<1x1x10000xf32, #tpu.memory_space<hbm>>
      %dma_start3A_133 = tpu.memref_squeeze %dma_start3A_132 : memref<1x1x10000xf32, #tpu.memory_space<hbm>> -> memref<10000xf32, #tpu.memory_space<hbm>>
      tpu.enqueue_dma source(%dma_start3A_133 : memref<10000xf32, #tpu.memory_space<hbm>>) target(%dma_start3A_130 : memref<10000xf32, #tpu.memory_space<vmem>>) target_semaphore(%run_scoped3A_123 : memref<!tpu.dma_semaphore, #tpu.memory_space<semaphore_mem>>)
      %dma_wait3A_134 = arith.constant 0 : i32
      %dma_wait3A_135 = tpu.memref_slice %arg8[%dma_wait3A_134] : memref<10016xf32, #tpu.memory_space<vmem>> -> memref<10000xf32, #tpu.memory_space<vmem>>
      %dma_wait3A_136 = arith.constant 0 : i32
      %dma_wait3A_137 = tpu.memref_slice %arg2[%select_n3A, %run_scoped3A_39, %dma_wait3A_136] : memref<16x6x10000xf32, #tpu.memory_space<hbm>> -> memref<1x1x10000xf32, #tpu.memory_space<hbm>>
      %dma_wait3A_138 = tpu.memref_squeeze %dma_wait3A_137 : memref<1x1x10000xf32, #tpu.memory_space<hbm>> -> memref<10000xf32, #tpu.memory_space<hbm>>
      %dma_wait3A_139 = arith.constant 0 : i32
      %dma_wait3A_140 = tpu.memref_slice %arg8[%dma_wait3A_139] : memref<10016xf32, #tpu.memory_space<vmem>> -> memref<10000xf32, #tpu.memory_space<vmem>>
      %dma_wait3A_141 = arith.constant 0 : i32
      %dma_wait3A_142 = tpu.memref_slice %arg2[%select_n3A, %run_scoped3A_39, %dma_wait3A_141] : memref<16x6x10000xf32, #tpu.memory_space<hbm>> -> memref<1x1x10000xf32, #tpu.memory_space<hbm>>
      %dma_wait3A_143 = tpu.memref_squeeze %dma_wait3A_142 : memref<1x1x10000xf32, #tpu.memory_space<hbm>> -> memref<10000xf32, #tpu.memory_space<hbm>>
      tpu.wait_dma2 semaphore(%run_scoped3A_123 : memref<!tpu.dma_semaphore, #tpu.memory_space<semaphore_mem>>) src(%dma_wait3A_143 : memref<10000xf32, #tpu.memory_space<hbm>>) dst(%dma_wait3A_140 : memref<10000xf32, #tpu.memory_space<vmem>>)
      tpu.yield
    }) : () -> ()
    %run_scoped3A_40 = arith.constant 3 : i32
    "tpu.region"() ({
      %run_scoped3A_123 = tpu.sem_alloc : memref<!tpu.dma_semaphore, #tpu.memory_space<semaphore_mem>>
      %dma_start3A_124 = arith.constant 0 : i32
      %dma_start3A_125 = tpu.memref_slice %arg9[%dma_start3A_124] : memref<10016xf32, #tpu.memory_space<vmem>> -> memref<10000xf32, #tpu.memory_space<vmem>>
      %dma_start3A_126 = arith.constant 0 : i32
      %dma_start3A_127 = tpu.memref_slice %arg2[%select_n3A, %run_scoped3A_40, %dma_start3A_126] : memref<16x6x10000xf32, #tpu.memory_space<hbm>> -> memref<1x1x10000xf32, #tpu.memory_space<hbm>>
      %dma_start3A_128 = tpu.memref_squeeze %dma_start3A_127 : memref<1x1x10000xf32, #tpu.memory_space<hbm>> -> memref<10000xf32, #tpu.memory_space<hbm>>
      %dma_start3A_129 = arith.constant 0 : i32
      %dma_start3A_130 = tpu.memref_slice %arg9[%dma_start3A_129] : memref<10016xf32, #tpu.memory_space<vmem>> -> memref<10000xf32, #tpu.memory_space<vmem>>
      %dma_start3A_131 = arith.constant 0 : i32
      %dma_start3A_132 = tpu.memref_slice %arg2[%select_n3A, %run_scoped3A_40, %dma_start3A_131] : memref<16x6x10000xf32, #tpu.memory_space<hbm>> -> memref<1x1x10000xf32, #tpu.memory_space<hbm>>
      %dma_start3A_133 = tpu.memref_squeeze %dma_start3A_132 : memref<1x1x10000xf32, #tpu.memory_space<hbm>> -> memref<10000xf32, #tpu.memory_space<hbm>>
      tpu.enqueue_dma source(%dma_start3A_133 : memref<10000xf32, #tpu.memory_space<hbm>>) target(%dma_start3A_130 : memref<10000xf32, #tpu.memory_space<vmem>>) target_semaphore(%run_scoped3A_123 : memref<!tpu.dma_semaphore, #tpu.memory_space<semaphore_mem>>)
      %dma_wait3A_134 = arith.constant 0 : i32
      %dma_wait3A_135 = tpu.memref_slice %arg9[%dma_wait3A_134] : memref<10016xf32, #tpu.memory_space<vmem>> -> memref<10000xf32, #tpu.memory_space<vmem>>
      %dma_wait3A_136 = arith.constant 0 : i32
      %dma_wait3A_137 = tpu.memref_slice %arg2[%select_n3A, %run_scoped3A_40, %dma_wait3A_136] : memref<16x6x10000xf32, #tpu.memory_space<hbm>> -> memref<1x1x10000xf32, #tpu.memory_space<hbm>>
      %dma_wait3A_138 = tpu.memref_squeeze %dma_wait3A_137 : memref<1x1x10000xf32, #tpu.memory_space<hbm>> -> memref<10000xf32, #tpu.memory_space<hbm>>
      %dma_wait3A_139 = arith.constant 0 : i32
      %dma_wait3A_140 = tpu.memref_slice %arg9[%dma_wait3A_139] : memref<10016xf32, #tpu.memory_space<vmem>> -> memref<10000xf32, #tpu.memory_space<vmem>>
      %dma_wait3A_141 = arith.constant 0 : i32
      %dma_wait3A_142 = tpu.memref_slice %arg2[%select_n3A, %run_scoped3A_40, %dma_wait3A_141] : memref<16x6x10000xf32, #tpu.memory_space<hbm>> -> memref<1x1x10000xf32, #tpu.memory_space<hbm>>
      %dma_wait3A_143 = tpu.memref_squeeze %dma_wait3A_142 : memref<1x1x10000xf32, #tpu.memory_space<hbm>> -> memref<10000xf32, #tpu.memory_space<hbm>>
      tpu.wait_dma2 semaphore(%run_scoped3A_123 : memref<!tpu.dma_semaphore, #tpu.memory_space<semaphore_mem>>) src(%dma_wait3A_143 : memref<10000xf32, #tpu.memory_space<hbm>>) dst(%dma_wait3A_140 : memref<10000xf32, #tpu.memory_space<vmem>>)
      tpu.yield
    }) : () -> ()
    %run_scoped3A_41 = arith.constant 4 : i32
    "tpu.region"() ({
      %run_scoped3A_123 = tpu.sem_alloc : memref<!tpu.dma_semaphore, #tpu.memory_space<semaphore_mem>>
      %dma_start3A_124 = arith.constant 0 : i32
      %dma_start3A_125 = tpu.memref_slice %arg10[%dma_start3A_124] : memref<10016xf32, #tpu.memory_space<vmem>> -> memref<10000xf32, #tpu.memory_space<vmem>>
      %dma_start3A_126 = arith.constant 0 : i32
      %dma_start3A_127 = tpu.memref_slice %arg2[%select_n3A, %run_scoped3A_41, %dma_start3A_126] : memref<16x6x10000xf32, #tpu.memory_space<hbm>> -> memref<1x1x10000xf32, #tpu.memory_space<hbm>>
      %dma_start3A_128 = tpu.memref_squeeze %dma_start3A_127 : memref<1x1x10000xf32, #tpu.memory_space<hbm>> -> memref<10000xf32, #tpu.memory_space<hbm>>
      %dma_start3A_129 = arith.constant 0 : i32
      %dma_start3A_130 = tpu.memref_slice %arg10[%dma_start3A_129] : memref<10016xf32, #tpu.memory_space<vmem>> -> memref<10000xf32, #tpu.memory_space<vmem>>
      %dma_start3A_131 = arith.constant 0 : i32
      %dma_start3A_132 = tpu.memref_slice %arg2[%select_n3A, %run_scoped3A_41, %dma_start3A_131] : memref<16x6x10000xf32, #tpu.memory_space<hbm>> -> memref<1x1x10000xf32, #tpu.memory_space<hbm>>
      %dma_start3A_133 = tpu.memref_squeeze %dma_start3A_132 : memref<1x1x10000xf32, #tpu.memory_space<hbm>> -> memref<10000xf32, #tpu.memory_space<hbm>>
      tpu.enqueue_dma source(%dma_start3A_133 : memref<10000xf32, #tpu.memory_space<hbm>>) target(%dma_start3A_130 : memref<10000xf32, #tpu.memory_space<vmem>>) target_semaphore(%run_scoped3A_123 : memref<!tpu.dma_semaphore, #tpu.memory_space<semaphore_mem>>)
      %dma_wait3A_134 = arith.constant 0 : i32
      %dma_wait3A_135 = tpu.memref_slice %arg10[%dma_wait3A_134] : memref<10016xf32, #tpu.memory_space<vmem>> -> memref<10000xf32, #tpu.memory_space<vmem>>
      %dma_wait3A_136 = arith.constant 0 : i32
      %dma_wait3A_137 = tpu.memref_slice %arg2[%select_n3A, %run_scoped3A_41, %dma_wait3A_136] : memref<16x6x10000xf32, #tpu.memory_space<hbm>> -> memref<1x1x10000xf32, #tpu.memory_space<hbm>>
      %dma_wait3A_138 = tpu.memref_squeeze %dma_wait3A_137 : memref<1x1x10000xf32, #tpu.memory_space<hbm>> -> memref<10000xf32, #tpu.memory_space<hbm>>
      %dma_wait3A_139 = arith.constant 0 : i32
      %dma_wait3A_140 = tpu.memref_slice %arg10[%dma_wait3A_139] : memref<10016xf32, #tpu.memory_space<vmem>> -> memref<10000xf32, #tpu.memory_space<vmem>>
      %dma_wait3A_141 = arith.constant 0 : i32
      %dma_wait3A_142 = tpu.memref_slice %arg2[%select_n3A, %run_scoped3A_41, %dma_wait3A_141] : memref<16x6x10000xf32, #tpu.memory_space<hbm>> -> memref<1x1x10000xf32, #tpu.memory_space<hbm>>
      %dma_wait3A_143 = tpu.memref_squeeze %dma_wait3A_142 : memref<1x1x10000xf32, #tpu.memory_space<hbm>> -> memref<10000xf32, #tpu.memory_space<hbm>>
      tpu.wait_dma2 semaphore(%run_scoped3A_123 : memref<!tpu.dma_semaphore, #tpu.memory_space<semaphore_mem>>) src(%dma_wait3A_143 : memref<10000xf32, #tpu.memory_space<hbm>>) dst(%dma_wait3A_140 : memref<10000xf32, #tpu.memory_space<vmem>>)
      tpu.yield
    }) : () -> ()
    %run_scoped3A_42 = arith.constant 5 : i32
    "tpu.region"() ({
      %run_scoped3A_123 = tpu.sem_alloc : memref<!tpu.dma_semaphore, #tpu.memory_space<semaphore_mem>>
      %dma_start3A_124 = arith.constant 0 : i32
      %dma_start3A_125 = tpu.memref_slice %arg11[%dma_start3A_124] : memref<10016xf32, #tpu.memory_space<vmem>> -> memref<10000xf32, #tpu.memory_space<vmem>>
      %dma_start3A_126 = arith.constant 0 : i32
      %dma_start3A_127 = tpu.memref_slice %arg2[%select_n3A, %run_scoped3A_42, %dma_start3A_126] : memref<16x6x10000xf32, #tpu.memory_space<hbm>> -> memref<1x1x10000xf32, #tpu.memory_space<hbm>>
      %dma_start3A_128 = tpu.memref_squeeze %dma_start3A_127 : memref<1x1x10000xf32, #tpu.memory_space<hbm>> -> memref<10000xf32, #tpu.memory_space<hbm>>
      %dma_start3A_129 = arith.constant 0 : i32
      %dma_start3A_130 = tpu.memref_slice %arg11[%dma_start3A_129] : memref<10016xf32, #tpu.memory_space<vmem>> -> memref<10000xf32, #tpu.memory_space<vmem>>
      %dma_start3A_131 = arith.constant 0 : i32
      %dma_start3A_132 = tpu.memref_slice %arg2[%select_n3A, %run_scoped3A_42, %dma_start3A_131] : memref<16x6x10000xf32, #tpu.memory_space<hbm>> -> memref<1x1x10000xf32, #tpu.memory_space<hbm>>
      %dma_start3A_133 = tpu.memref_squeeze %dma_start3A_132 : memref<1x1x10000xf32, #tpu.memory_space<hbm>> -> memref<10000xf32, #tpu.memory_space<hbm>>
      tpu.enqueue_dma source(%dma_start3A_133 : memref<10000xf32, #tpu.memory_space<hbm>>) target(%dma_start3A_130 : memref<10000xf32, #tpu.memory_space<vmem>>) target_semaphore(%run_scoped3A_123 : memref<!tpu.dma_semaphore, #tpu.memory_space<semaphore_mem>>)
      %dma_wait3A_134 = arith.constant 0 : i32
      %dma_wait3A_135 = tpu.memref_slice %arg11[%dma_wait3A_134] : memref<10016xf32, #tpu.memory_space<vmem>> -> memref<10000xf32, #tpu.memory_space<vmem>>
      %dma_wait3A_136 = arith.constant 0 : i32
      %dma_wait3A_137 = tpu.memref_slice %arg2[%select_n3A, %run_scoped3A_42, %dma_wait3A_136] : memref<16x6x10000xf32, #tpu.memory_space<hbm>> -> memref<1x1x10000xf32, #tpu.memory_space<hbm>>
      %dma_wait3A_138 = tpu.memref_squeeze %dma_wait3A_137 : memref<1x1x10000xf32, #tpu.memory_space<hbm>> -> memref<10000xf32, #tpu.memory_space<hbm>>
      %dma_wait3A_139 = arith.constant 0 : i32
      %dma_wait3A_140 = tpu.memref_slice %arg11[%dma_wait3A_139] : memref<10016xf32, #tpu.memory_space<vmem>> -> memref<10000xf32, #tpu.memory_space<vmem>>
      %dma_wait3A_141 = arith.constant 0 : i32
      %dma_wait3A_142 = tpu.memref_slice %arg2[%select_n3A, %run_scoped3A_42, %dma_wait3A_141] : memref<16x6x10000xf32, #tpu.memory_space<hbm>> -> memref<1x1x10000xf32, #tpu.memory_space<hbm>>
      %dma_wait3A_143 = tpu.memref_squeeze %dma_wait3A_142 : memref<1x1x10000xf32, #tpu.memory_space<hbm>> -> memref<10000xf32, #tpu.memory_space<hbm>>
      tpu.wait_dma2 semaphore(%run_scoped3A_123 : memref<!tpu.dma_semaphore, #tpu.memory_space<semaphore_mem>>) src(%dma_wait3A_143 : memref<10000xf32, #tpu.memory_space<hbm>>) dst(%dma_wait3A_140 : memref<10000xf32, #tpu.memory_space<vmem>>)
      tpu.yield
    }) : () -> ()
    "tpu.region"() ({
      %run_scoped3A_123 = tpu.sem_alloc : memref<!tpu.dma_semaphore, #tpu.memory_space<semaphore_mem>>
      tpu.enqueue_dma source(%arg4 : memref<16xf32, #tpu.memory_space<hbm>>) target(%arg16 : memref<16xf32, #tpu.memory_space<vmem>>) target_semaphore(%run_scoped3A_123 : memref<!tpu.dma_semaphore, #tpu.memory_space<semaphore_mem>>)
      tpu.wait_dma2 semaphore(%run_scoped3A_123 : memref<!tpu.dma_semaphore, #tpu.memory_space<semaphore_mem>>) src(%arg4 : memref<16xf32, #tpu.memory_space<hbm>>) dst(%arg16 : memref<16xf32, #tpu.memory_space<vmem>>)
      tpu.yield
    }) : () -> ()
    %get3A = arith.constant 0 : index
    %get3A_43 = tpu.vector_load %arg16[%get3A] {strides = array<i32>} : memref<16xf32, #tpu.memory_space<vmem>>, vector<16xf32>,
    %broadcast_in_dim3A = arith.constant 0.000000e+00 : f32
    %broadcast_in_dim3A_44 = vector.broadcast %broadcast_in_dim3A : f32 to vector<16xf32>
    %broadcast_in_dim3A_45 = arith.constant 0 : i32
    %broadcast_in_dim3A_46 = vector.broadcast %broadcast_in_dim3A_45 : i32 to vector<16xi32>
    %broadcast_in_dim3A_47 = arith.constant 1 : i32
    %broadcast_in_dim3A_48 = vector.broadcast %broadcast_in_dim3A_47 : i32 to vector<16xi32>
    %iota3A = tpu.iota {dimensions = array<i32: 0>} : vector<16xi32>
    %eq3A_49 = arith.constant 15 : i32
    %eq3A_50 = vector.broadcast %eq3A_49 : i32 to vector<16xi32>
    %eq3A_51 = arith.cmpi eq, %iota3A, %eq3A_50 : vector<16xi32>
    %sub3A_52 = arith.constant 512 : i32
    %sub3A_53 = arith.subi %select_n3A_37, %sub3A_52 : i32
    %min3A = arith.constant 0 : i32
    %min3A_54 = arith.minsi %min3A, %sub3A_53 : i32
    %add3A_55 = arith.addi %mul3A_32, %min3A_54 : i32
    %dma_start3A = arith.constant 0 : i32
    %dma_start3A_56 = arith.constant 0 : i32
    %dma_start3A_57 = arith.constant 0 : i32
    %dma_start3A_58 = arith.constant 0 : i32
    %dma_start3A_59 = tpu.memref_slice %arg12[%dma_start3A, %dma_start3A_57, %dma_start3A_58] : memref<2x512x32xi32, #tpu.memory_space<vmem>> -> memref<1x512x32xi32, #tpu.memory_space<vmem>>
    %dma_start3A_60 = tpu.memref_squeeze %dma_start3A_59 : memref<1x512x32xi32, #tpu.memory_space<vmem>> -> memref<512x32xi32, #tpu.memory_space<vmem>>
    %dma_start3A_61 = arith.constant 0 : i32
    %dma_start3A_62 = tpu.memref_slice %arg3[%select_n3A, %add3A_55, %dma_start3A_61] : memref<16x10000x32xi32, #tpu.memory_space<hbm>> -> memref<1x512x32xi32, #tpu.memory_space<hbm>>
    %dma_start3A_63 = tpu.memref_squeeze %dma_start3A_62 : memref<1x512x32xi32, #tpu.memory_space<hbm>> -> memref<512x32xi32, #tpu.memory_space<hbm>>
    %dma_start3A_64 = tpu.memref_slice %arg17[%dma_start3A_56] : memref<2x!tpu.dma_semaphore, #tpu.memory_space<semaphore_mem>> -> memref<1x!tpu.dma_semaphore, #tpu.memory_space<semaphore_mem>>
    %dma_start3A_65 = tpu.memref_squeeze %dma_start3A_64 : memref<1x!tpu.dma_semaphore, #tpu.memory_space<semaphore_mem>> -> memref<!tpu.dma_semaphore, #tpu.memory_space<semaphore_mem>>
    %dma_start3A_66 = arith.constant 0 : i32
    %dma_start3A_67 = arith.constant 0 : i32
    %dma_start3A_68 = tpu.memref_slice %arg12[%dma_start3A, %dma_start3A_66, %dma_start3A_67] : memref<2x512x32xi32, #tpu.memory_space<vmem>> -> memref<1x512x32xi32, #tpu.memory_space<vmem>>
    %dma_start3A_69 = tpu.memref_squeeze %dma_start3A_68 : memref<1x512x32xi32, #tpu.memory_space<vmem>> -> memref<512x32xi32, #tpu.memory_space<vmem>>
    %dma_start3A_70 = arith.constant 0 : i32
    %dma_start3A_71 = tpu.memref_slice %arg3[%select_n3A, %add3A_55, %dma_start3A_70] : memref<16x10000x32xi32, #tpu.memory_space<hbm>> -> memref<1x512x32xi32, #tpu.memory_space<hbm>>
    %dma_start3A_72 = tpu.memref_squeeze %dma_start3A_71 : memref<1x512x32xi32, #tpu.memory_space<hbm>> -> memref<512x32xi32, #tpu.memory_space<hbm>>
    tpu.enqueue_dma source(%dma_start3A_72 : memref<512x32xi32, #tpu.memory_space<hbm>>) target(%dma_start3A_69 : memref<512x32xi32, #tpu.memory_space<vmem>>) target_semaphore(%dma_start3A_65 : memref<!tpu.dma_semaphore, #tpu.memory_space<semaphore_mem>>)
    %scan3A = arith.constant 0 : i32
    %scan3A_73 = arith.constant 0 : i32
    %scan3A_74 = arith.constant 10 : i32
    %scan3A_75 = arith.addi %scan3A_73, %scan3A_74 : i32
    %scan3A_76 = arith.constant 1 : i32
    scf.for %scan3A_123 = %scan3A_73 to %scan3A_75 step %scan3A_76  : i32 {
      %rem3A_124 = arith.constant 2 : i32
      %rem3A_125 = arith.remsi %scan3A_123, %rem3A_124 : i32
      %mul3A_126 = arith.constant 512 : i32
      %mul3A_127 = arith.muli %scan3A_123, %mul3A_126 : i32
      %sub3A_128 = arith.constant 512 : i32
      %sub3A_129 = arith.subi %select_n3A_37, %sub3A_128 : i32
      %min3A_130 = arith.minsi %mul3A_127, %sub3A_129 : i32
      %add3A_131 = arith.addi %mul3A_32, %min3A_130 : i32
      %add3A_132 = arith.constant 1 : i32
      %add3A_133 = arith.addi %scan3A_123, %add3A_132 : i32
      %lt3A_134 = arith.constant 10 : i32
      %lt3A_135 = arith.cmpi slt, %add3A_133, %lt3A_134 : i32
      %convert_element_type3A = arith.extui %lt3A_135 : i1 to i32
      %cond3A = arith.constant 0 : i32
      %cond3A_136 = arith.cmpi ne, %convert_element_type3A, %cond3A : i32
      scf.if %cond3A_136 {
        %add3A_193 = arith.constant 1 : i32
        %add3A_194 = arith.addi %scan3A_123, %add3A_193 : i32
        %sub3A_195 = arith.constant 1 : i32
        %sub3A_196 = arith.subi %sub3A_195, %rem3A_125 : i32
        %mul3A_197 = arith.constant 512 : i32
        %mul3A_198 = arith.muli %add3A_194, %mul3A_197 : i32
        %sub3A_199 = arith.constant 512 : i32
        %sub3A_200 = arith.subi %select_n3A_37, %sub3A_199 : i32
        %min3A_201 = arith.minsi %mul3A_198, %sub3A_200 : i32
        %add3A_202 = arith.addi %mul3A_32, %min3A_201 : i32
        %dma_start3A_203 = arith.constant 0 : i32
        %dma_start3A_204 = arith.constant 0 : i32
        %dma_start3A_205 = tpu.memref_slice %arg12[%sub3A_196, %dma_start3A_203, %dma_start3A_204] : memref<2x512x32xi32, #tpu.memory_space<vmem>> -> memref<1x512x32xi32, #tpu.memory_space<vmem>>
        %dma_start3A_206 = tpu.memref_squeeze %dma_start3A_205 : memref<1x512x32xi32, #tpu.memory_space<vmem>> -> memref<512x32xi32, #tpu.memory_space<vmem>>
        %dma_start3A_207 = arith.constant 0 : i32
        %dma_start3A_208 = tpu.memref_slice %arg3[%select_n3A, %add3A_202, %dma_start3A_207] : memref<16x10000x32xi32, #tpu.memory_space<hbm>> -> memref<1x512x32xi32, #tpu.memory_space<hbm>>
        %dma_start3A_209 = tpu.memref_squeeze %dma_start3A_208 : memref<1x512x32xi32, #tpu.memory_space<hbm>> -> memref<512x32xi32, #tpu.memory_space<hbm>>
        %dma_start3A_210 = tpu.memref_slice %arg17[%sub3A_196] : memref<2x!tpu.dma_semaphore, #tpu.memory_space<semaphore_mem>> -> memref<1x!tpu.dma_semaphore, #tpu.memory_space<semaphore_mem>>
        %dma_start3A_211 = tpu.memref_squeeze %dma_start3A_210 : memref<1x!tpu.dma_semaphore, #tpu.memory_space<semaphore_mem>> -> memref<!tpu.dma_semaphore, #tpu.memory_space<semaphore_mem>>
        %dma_start3A_212 = arith.constant 0 : i32
        %dma_start3A_213 = arith.constant 0 : i32
        %dma_start3A_214 = tpu.memref_slice %arg12[%sub3A_196, %dma_start3A_212, %dma_start3A_213] : memref<2x512x32xi32, #tpu.memory_space<vmem>> -> memref<1x512x32xi32, #tpu.memory_space<vmem>>
        %dma_start3A_215 = tpu.memref_squeeze %dma_start3A_214 : memref<1x512x32xi32, #tpu.memory_space<vmem>> -> memref<512x32xi32, #tpu.memory_space<vmem>>
        %dma_start3A_216 = arith.constant 0 : i32
        %dma_start3A_217 = tpu.memref_slice %arg3[%select_n3A, %add3A_202, %dma_start3A_216] : memref<16x10000x32xi32, #tpu.memory_space<hbm>> -> memref<1x512x32xi32, #tpu.memory_space<hbm>>
        %dma_start3A_218 = tpu.memref_squeeze %dma_start3A_217 : memref<1x512x32xi32, #tpu.memory_space<hbm>> -> memref<512x32xi32, #tpu.memory_space<hbm>>
        tpu.enqueue_dma source(%dma_start3A_218 : memref<512x32xi32, #tpu.memory_space<hbm>>) target(%dma_start3A_215 : memref<512x32xi32, #tpu.memory_space<vmem>>) target_semaphore(%dma_start3A_211 : memref<!tpu.dma_semaphore, #tpu.memory_space<semaphore_mem>>)
      } else {
      }
      %mul3A_137 = arith.constant 512 : i32
      %mul3A_138 = arith.muli %scan3A_123, %mul3A_137 : i32
      %sub3A_139 = arith.constant 512 : i32
      %sub3A_140 = arith.subi %select_n3A_37, %sub3A_139 : i32
      %min3A_141 = arith.minsi %mul3A_138, %sub3A_140 : i32
      %add3A_142 = arith.addi %mul3A_32, %min3A_141 : i32
      %dma_wait3A_143 = arith.constant 0 : i32
      %dma_wait3A_144 = arith.constant 0 : i32
      %dma_wait3A_145 = tpu.memref_slice %arg12[%rem3A_125, %dma_wait3A_143, %dma_wait3A_144] : memref<2x512x32xi32, #tpu.memory_space<vmem>> -> memref<1x512x32xi32, #tpu.memory_space<vmem>>
      %dma_wait3A_146 = tpu.memref_squeeze %dma_wait3A_145 : memref<1x512x32xi32, #tpu.memory_space<vmem>> -> memref<512x32xi32, #tpu.memory_space<vmem>>
      %dma_wait3A_147 = arith.constant 0 : i32
      %dma_wait3A_148 = tpu.memref_slice %arg3[%select_n3A, %add3A_142, %dma_wait3A_147] : memref<16x10000x32xi32, #tpu.memory_space<hbm>> -> memref<1x512x32xi32, #tpu.memory_space<hbm>>
      %dma_wait3A_149 = tpu.memref_squeeze %dma_wait3A_148 : memref<1x512x32xi32, #tpu.memory_space<hbm>> -> memref<512x32xi32, #tpu.memory_space<hbm>>
      %dma_wait3A_150 = tpu.memref_slice %arg17[%rem3A_125] : memref<2x!tpu.dma_semaphore, #tpu.memory_space<semaphore_mem>> -> memref<1x!tpu.dma_semaphore, #tpu.memory_space<semaphore_mem>>
      %dma_wait3A_151 = tpu.memref_squeeze %dma_wait3A_150 : memref<1x!tpu.dma_semaphore, #tpu.memory_space<semaphore_mem>> -> memref<!tpu.dma_semaphore, #tpu.memory_space<semaphore_mem>>
      %dma_wait3A_152 = arith.constant 0 : i32
      %dma_wait3A_153 = arith.constant 0 : i32
      %dma_wait3A_154 = tpu.memref_slice %arg12[%rem3A_125, %dma_wait3A_152, %dma_wait3A_153] : memref<2x512x32xi32, #tpu.memory_space<vmem>> -> memref<1x512x32xi32, #tpu.memory_space<vmem>>
      %dma_wait3A_155 = tpu.memref_squeeze %dma_wait3A_154 : memref<1x512x32xi32, #tpu.memory_space<vmem>> -> memref<512x32xi32, #tpu.memory_space<vmem>>
      %dma_wait3A_156 = arith.constant 0 : i32
      %dma_wait3A_157 = tpu.memref_slice %arg3[%select_n3A, %add3A_142, %dma_wait3A_156] : memref<16x10000x32xi32, #tpu.memory_space<hbm>> -> memref<1x512x32xi32, #tpu.memory_space<hbm>>
      %dma_wait3A_158 = tpu.memref_squeeze %dma_wait3A_157 : memref<1x512x32xi32, #tpu.memory_space<hbm>> -> memref<512x32xi32, #tpu.memory_space<hbm>>
      tpu.wait_dma2 semaphore(%dma_wait3A_151 : memref<!tpu.dma_semaphore, #tpu.memory_space<semaphore_mem>>) src(%dma_wait3A_158 : memref<512x32xi32, #tpu.memory_space<hbm>>) dst(%dma_wait3A_155 : memref<512x32xi32, #tpu.memory_space<vmem>>)
      %ge3A = arith.constant 2 : i32
      %ge3A_159 = arith.cmpi sge, %scan3A_123, %ge3A : i32
      %convert_element_type3A_160 = arith.extui %ge3A_159 : i1 to i32
      %cond3A_161 = arith.constant 0 : i32
      %cond3A_162 = arith.cmpi ne, %convert_element_type3A_160, %cond3A_161 : i32
      scf.if %cond3A_162 {
        %sub3A_193 = arith.constant 2 : i32
        %sub3A_194 = arith.subi %scan3A_123, %sub3A_193 : i32
        %mul3A_195 = arith.constant 512 : i32
        %mul3A_196 = arith.muli %sub3A_194, %mul3A_195 : i32
        %sub3A_197 = arith.constant 512 : i32
        %sub3A_198 = arith.subi %select_n3A_37, %sub3A_197 : i32
        %min3A_199 = arith.minsi %mul3A_196, %sub3A_198 : i32
        %add3A_200 = arith.addi %mul3A_32, %min3A_199 : i32
        %dma_wait3A_201 = arith.constant 0 : i32
        %dma_wait3A_202 = arith.constant 0 : i32
        %dma_wait3A_203 = tpu.memref_slice %arg15[%rem3A_125, %dma_wait3A_201, %dma_wait3A_202] : memref<2x512x2xf32, #tpu.memory_space<vmem>> -> memref<1x512x2xf32, #tpu.memory_space<vmem>>
        %dma_wait3A_204 = tpu.memref_squeeze %dma_wait3A_203 : memref<1x512x2xf32, #tpu.memory_space<vmem>> -> memref<512x2xf32, #tpu.memory_space<vmem>>
        %dma_wait3A_205 = arith.constant 0 : i32
        %dma_wait3A_206 = tpu.memref_slice %arg5[%select_n3A, %add3A_200, %dma_wait3A_205] : memref<16x10000x2xf32, #tpu.memory_space<hbm>> -> memref<1x512x2xf32, #tpu.memory_space<hbm>>
        %dma_wait3A_207 = tpu.memref_squeeze %dma_wait3A_206 : memref<1x512x2xf32, #tpu.memory_space<hbm>> -> memref<512x2xf32, #tpu.memory_space<hbm>>
        %dma_wait3A_208 = tpu.memref_slice %arg18[%rem3A_125] : memref<2x!tpu.dma_semaphore, #tpu.memory_space<semaphore_mem>> -> memref<1x!tpu.dma_semaphore, #tpu.memory_space<semaphore_mem>>
        %dma_wait3A_209 = tpu.memref_squeeze %dma_wait3A_208 : memref<1x!tpu.dma_semaphore, #tpu.memory_space<semaphore_mem>> -> memref<!tpu.dma_semaphore, #tpu.memory_space<semaphore_mem>>
        %dma_wait3A_210 = arith.constant 0 : i32
        %dma_wait3A_211 = tpu.memref_slice %arg5[%select_n3A, %add3A_200, %dma_wait3A_210] : memref<16x10000x2xf32, #tpu.memory_space<hbm>> -> memref<1x512x2xf32, #tpu.memory_space<hbm>>
        %dma_wait3A_212 = tpu.memref_squeeze %dma_wait3A_211 : memref<1x512x2xf32, #tpu.memory_space<hbm>> -> memref<512x2xf32, #tpu.memory_space<hbm>>
        %dma_wait3A_213 = arith.constant 0 : i32
        %dma_wait3A_214 = arith.constant 0 : i32
        %dma_wait3A_215 = tpu.memref_slice %arg15[%rem3A_125, %dma_wait3A_213, %dma_wait3A_214] : memref<2x512x2xf32, #tpu.memory_space<vmem>> -> memref<1x512x2xf32, #tpu.memory_space<vmem>>
        %dma_wait3A_216 = tpu.memref_squeeze %dma_wait3A_215 : memref<1x512x2xf32, #tpu.memory_space<vmem>> -> memref<512x2xf32, #tpu.memory_space<vmem>>
        tpu.wait_dma2 semaphore(%dma_wait3A_209 : memref<!tpu.dma_semaphore, #tpu.memory_space<semaphore_mem>>) src(%dma_wait3A_216 : memref<512x2xf32, #tpu.memory_space<vmem>>) dst(%dma_wait3A_212 : memref<512x2xf32, #tpu.memory_space<hbm>>)
      } else {
      }
      %parallel_loop3A = arith.constant 0 : i32
      %parallel_loop3A_163 = arith.constant 512 : i32
      %parallel_loop3A_164 = arith.constant 1 : i32
      scf.for %parallel_loop3A_193 = %parallel_loop3A to %parallel_loop3A_163 step %parallel_loop3A_164  : i32 {
        %parallel_loop3A_194 = arith.addi %add3A_131, %parallel_loop3A_193 : i32
        %parallel_loop3A_195 = arith.index_cast %parallel_loop3A_194 : i32 to index
        %parallel_loop3A_196 = tpu.vector_load %arg6[%parallel_loop3A_195] {strides = array<i32>} : memref<10016xf32, #tpu.memory_space<vmem>>, vector<16xf32>,
        %parallel_loop3A_197 = vector.extract_strided_slice %parallel_loop3A_196 {offsets = [0], sizes = [1], strides = [1]} : vector<16xf32> to vector<1xf32>
        %parallel_loop3A_198 = vector.extract %parallel_loop3A_197[0] : f32 from vector<1xf32>
        %parallel_loop3A_199 = vector.broadcast %parallel_loop3A_198 : f32 to vector<16xf32>
        %parallel_loop3A_200 = arith.index_cast %parallel_loop3A_194 : i32 to index
        %parallel_loop3A_201 = tpu.vector_load %arg7[%parallel_loop3A_200] {strides = array<i32>} : memref<10016xf32, #tpu.memory_space<vmem>>, vector<16xf32>,
        %parallel_loop3A_202 = vector.extract_strided_slice %parallel_loop3A_201 {offsets = [0], sizes = [1], strides = [1]} : vector<16xf32> to vector<1xf32>
        %parallel_loop3A_203 = vector.extract %parallel_loop3A_202[0] : f32 from vector<1xf32>
        %parallel_loop3A_204 = vector.broadcast %parallel_loop3A_203 : f32 to vector<16xf32>
        %parallel_loop3A_205 = arith.index_cast %parallel_loop3A_194 : i32 to index
        %parallel_loop3A_206 = tpu.vector_load %arg10[%parallel_loop3A_205] {strides = array<i32>} : memref<10016xf32, #tpu.memory_space<vmem>>, vector<16xf32>,
        %parallel_loop3A_207 = vector.extract_strided_slice %parallel_loop3A_206 {offsets = [0], sizes = [1], strides = [1]} : vector<16xf32> to vector<1xf32>
        %parallel_loop3A_208 = vector.extract %parallel_loop3A_207[0] : f32 from vector<1xf32>
        %parallel_loop3A_209 = vector.broadcast %parallel_loop3A_208 : f32 to vector<16xf32>
        %parallel_loop3A_210 = arith.index_cast %parallel_loop3A_194 : i32 to index
        %parallel_loop3A_211 = tpu.vector_load %arg11[%parallel_loop3A_210] {strides = array<i32>} : memref<10016xf32, #tpu.memory_space<vmem>>, vector<16xf32>,
        %parallel_loop3A_212 = vector.extract_strided_slice %parallel_loop3A_211 {offsets = [0], sizes = [1], strides = [1]} : vector<16xf32> to vector<1xf32>
        %parallel_loop3A_213 = vector.extract %parallel_loop3A_212[0] : f32 from vector<1xf32>
        %parallel_loop3A_214 = vector.broadcast %parallel_loop3A_213 : f32 to vector<16xf32>
        %parallel_loop3A_215 = arith.index_cast %rem3A_125 : i32 to index
        %parallel_loop3A_216 = arith.index_cast %parallel_loop3A_193 : i32 to index
        %parallel_loop3A_217 = arith.constant 0 : index
        %parallel_loop3A_218 = tpu.vector_load %arg12[%parallel_loop3A_215, %parallel_loop3A_216, %parallel_loop3A_217] {strides = array<i32>} : memref<2x512x32xi32, #tpu.memory_space<vmem>>, vector<16xi32>,
        %parallel_loop3A_219 = tpu.vector_load_idx %arg6[%parallel_loop3A_218] : memref<10016xf32, #tpu.memory_space<vmem>>[vector<16xi32>], vector<16xf32>,
        %parallel_loop3A_220 = tpu.vector_load_idx %arg7[%parallel_loop3A_218] : memref<10016xf32, #tpu.memory_space<vmem>>[vector<16xi32>], vector<16xf32>,
        %parallel_loop3A_221 = tpu.vector_load_idx %arg8[%parallel_loop3A_218] : memref<10016xf32, #tpu.memory_space<vmem>>[vector<16xi32>], vector<16xf32>,
        %parallel_loop3A_222 = tpu.vector_load_idx %arg9[%parallel_loop3A_218] : memref<10016xf32, #tpu.memory_space<vmem>>[vector<16xi32>], vector<16xf32>,
        %parallel_loop3A_223 = arith.subf %parallel_loop3A_199, %parallel_loop3A_219 : vector<16xf32>
        %parallel_loop3A_224 = arith.subf %parallel_loop3A_204, %parallel_loop3A_220 : vector<16xf32>
        %parallel_loop3A_225 = arith.subf %parallel_loop3A_209, %parallel_loop3A_221 : vector<16xf32>
        %parallel_loop3A_226 = arith.subf %parallel_loop3A_214, %parallel_loop3A_222 : vector<16xf32>
        %parallel_loop3A_227 = arith.mulf %parallel_loop3A_223, %parallel_loop3A_225 : vector<16xf32>
        %parallel_loop3A_228 = arith.mulf %parallel_loop3A_224, %parallel_loop3A_226 : vector<16xf32>
        %parallel_loop3A_229 = arith.addf %parallel_loop3A_227, %parallel_loop3A_228 : vector<16xf32>
        %parallel_loop3A_230 = arith.mulf %parallel_loop3A_225, %parallel_loop3A_225 : vector<16xf32>
        %parallel_loop3A_231 = arith.mulf %parallel_loop3A_226, %parallel_loop3A_226 : vector<16xf32>
        %parallel_loop3A_232 = arith.addf %parallel_loop3A_230, %parallel_loop3A_231 : vector<16xf32>
        %parallel_loop3A_233 = arith.divf %parallel_loop3A_229, %parallel_loop3A_232 : vector<16xf32>
        %parallel_loop3A_234 = arith.constant 0.000000e+00 : f32
        %parallel_loop3A_235 = vector.broadcast %parallel_loop3A_234 : f32 to vector<16xf32>
        %parallel_loop3A_236 = arith.maximumf %parallel_loop3A_233, %parallel_loop3A_235 : vector<16xf32>
        %parallel_loop3A_237 = arith.constant 3.000000e+00 : f32
        %parallel_loop3A_238 = vector.broadcast %parallel_loop3A_237 : f32 to vector<16xf32>
        %parallel_loop3A_239 = arith.minimumf %parallel_loop3A_236, %parallel_loop3A_238 : vector<16xf32>
        %parallel_loop3A_240 = arith.mulf %parallel_loop3A_223, %parallel_loop3A_223 : vector<16xf32>
        %parallel_loop3A_241 = arith.mulf %parallel_loop3A_224, %parallel_loop3A_224 : vector<16xf32>
        %parallel_loop3A_242 = arith.addf %parallel_loop3A_240, %parallel_loop3A_241 : vector<16xf32>
        %parallel_loop3A_243 = arith.addf %parallel_loop3A_229, %parallel_loop3A_229 : vector<16xf32>
        %parallel_loop3A_244 = arith.mulf %parallel_loop3A_239, %parallel_loop3A_232 : vector<16xf32>
        %parallel_loop3A_245 = arith.addf %parallel_loop3A_243, %parallel_loop3A_244 : vector<16xf32>
        %parallel_loop3A_246 = arith.mulf %parallel_loop3A_239, %parallel_loop3A_245 : vector<16xf32>
        %parallel_loop3A_247 = arith.addf %parallel_loop3A_242, %parallel_loop3A_246 : vector<16xf32>
        %parallel_loop3A_248 = vector.bitcast %parallel_loop3A_242 : vector<16xf32> to vector<16xi32>
        %parallel_loop3A_249 = arith.constant 1 : i32
        %parallel_loop3A_250 = vector.broadcast %parallel_loop3A_249 : i32 to vector<16xi32>
        %parallel_loop3A_251 = arith.shrsi %parallel_loop3A_248, %parallel_loop3A_250 : vector<16xi32>
        %parallel_loop3A_252 = arith.constant 1597463007 : i32
        %parallel_loop3A_253 = vector.broadcast %parallel_loop3A_252 : i32 to vector<16xi32>
        %parallel_loop3A_254 = arith.subi %parallel_loop3A_253, %parallel_loop3A_251 : vector<16xi32>
        %parallel_loop3A_255 = vector.bitcast %parallel_loop3A_254 : vector<16xi32> to vector<16xf32>
        %parallel_loop3A_256 = arith.constant -5.000000e-01 : f32
        %parallel_loop3A_257 = vector.broadcast %parallel_loop3A_256 : f32 to vector<16xf32>
        %parallel_loop3A_258 = arith.mulf %parallel_loop3A_242, %parallel_loop3A_257 : vector<16xf32>
        %parallel_loop3A_259 = arith.mulf %parallel_loop3A_258, %parallel_loop3A_255 : vector<16xf32>
        %parallel_loop3A_260 = arith.mulf %parallel_loop3A_259, %parallel_loop3A_255 : vector<16xf32>
        %parallel_loop3A_261 = arith.constant 1.500000e+00 : f32
        %parallel_loop3A_262 = vector.broadcast %parallel_loop3A_261 : f32 to vector<16xf32>
        %parallel_loop3A_263 = arith.addf %parallel_loop3A_262, %parallel_loop3A_260 : vector<16xf32>
        %parallel_loop3A_264 = arith.mulf %parallel_loop3A_255, %parallel_loop3A_263 : vector<16xf32>
        %parallel_loop3A_265 = arith.cmpf olt, %parallel_loop3A_247, %get3A_43 : vector<16xf32>
        %parallel_loop3A_266 = arith.constant 0.000000e+00 : f32
        %parallel_loop3A_267 = vector.broadcast %parallel_loop3A_266 : f32 to vector<16xf32>
        %parallel_loop3A_268 = arith.select %parallel_loop3A_265, %parallel_loop3A_264, %parallel_loop3A_267 : vector<16xi1>, vector<16xf32>
        %parallel_loop3A_269 = arith.mulf %parallel_loop3A_224, %parallel_loop3A_268 : vector<16xf32>
        %parallel_loop3A_270 = arith.subf %broadcast_in_dim3A_44, %parallel_loop3A_269 : vector<16xf32>
        %parallel_loop3A_271 = arith.mulf %parallel_loop3A_223, %parallel_loop3A_268 : vector<16xf32>
        %parallel_loop3A_272 = arith.addf %broadcast_in_dim3A_44, %parallel_loop3A_271 : vector<16xf32>
        %parallel_loop3A_273 = arith.index_cast %rem3A_125 : i32 to index
        %parallel_loop3A_274 = arith.index_cast %parallel_loop3A_193 : i32 to index
        %parallel_loop3A_275 = arith.constant 16 : index
        %parallel_loop3A_276 = tpu.vector_load %arg12[%parallel_loop3A_273, %parallel_loop3A_274, %parallel_loop3A_275] {strides = array<i32>} : memref<2x512x32xi32, #tpu.memory_space<vmem>>, vector<16xi32>,
        %parallel_loop3A_277 = tpu.vector_load_idx %arg6[%parallel_loop3A_276] : memref<10016xf32, #tpu.memory_space<vmem>>[vector<16xi32>], vector<16xf32>,
        %parallel_loop3A_278 = tpu.vector_load_idx %arg7[%parallel_loop3A_276] : memref<10016xf32, #tpu.memory_space<vmem>>[vector<16xi32>], vector<16xf32>,
        %parallel_loop3A_279 = tpu.vector_load_idx %arg8[%parallel_loop3A_276] : memref<10016xf32, #tpu.memory_space<vmem>>[vector<16xi32>], vector<16xf32>,
        %parallel_loop3A_280 = tpu.vector_load_idx %arg9[%parallel_loop3A_276] : memref<10016xf32, #tpu.memory_space<vmem>>[vector<16xi32>], vector<16xf32>,
        %parallel_loop3A_281 = arith.subf %parallel_loop3A_199, %parallel_loop3A_277 : vector<16xf32>
        %parallel_loop3A_282 = arith.subf %parallel_loop3A_204, %parallel_loop3A_278 : vector<16xf32>
        %parallel_loop3A_283 = arith.subf %parallel_loop3A_209, %parallel_loop3A_279 : vector<16xf32>
        %parallel_loop3A_284 = arith.subf %parallel_loop3A_214, %parallel_loop3A_280 : vector<16xf32>
        %parallel_loop3A_285 = arith.mulf %parallel_loop3A_281, %parallel_loop3A_283 : vector<16xf32>
        %parallel_loop3A_286 = arith.mulf %parallel_loop3A_282, %parallel_loop3A_284 : vector<16xf32>
        %parallel_loop3A_287 = arith.addf %parallel_loop3A_285, %parallel_loop3A_286 : vector<16xf32>
        %parallel_loop3A_288 = arith.mulf %parallel_loop3A_283, %parallel_loop3A_283 : vector<16xf32>
        %parallel_loop3A_289 = arith.mulf %parallel_loop3A_284, %parallel_loop3A_284 : vector<16xf32>
        %parallel_loop3A_290 = arith.addf %parallel_loop3A_288, %parallel_loop3A_289 : vector<16xf32>
        %parallel_loop3A_291 = arith.divf %parallel_loop3A_287, %parallel_loop3A_290 : vector<16xf32>
        %parallel_loop3A_292 = arith.constant 0.000000e+00 : f32
        %parallel_loop3A_293 = vector.broadcast %parallel_loop3A_292 : f32 to vector<16xf32>
        %parallel_loop3A_294 = arith.maximumf %parallel_loop3A_291, %parallel_loop3A_293 : vector<16xf32>
        %parallel_loop3A_295 = arith.constant 3.000000e+00 : f32
        %parallel_loop3A_296 = vector.broadcast %parallel_loop3A_295 : f32 to vector<16xf32>
        %parallel_loop3A_297 = arith.minimumf %parallel_loop3A_294, %parallel_loop3A_296 : vector<16xf32>
        %parallel_loop3A_298 = arith.mulf %parallel_loop3A_281, %parallel_loop3A_281 : vector<16xf32>
        %parallel_loop3A_299 = arith.mulf %parallel_loop3A_282, %parallel_loop3A_282 : vector<16xf32>
        %parallel_loop3A_300 = arith.addf %parallel_loop3A_298, %parallel_loop3A_299 : vector<16xf32>
        %parallel_loop3A_301 = arith.addf %parallel_loop3A_287, %parallel_loop3A_287 : vector<16xf32>
        %parallel_loop3A_302 = arith.mulf %parallel_loop3A_297, %parallel_loop3A_290 : vector<16xf32>
        %parallel_loop3A_303 = arith.addf %parallel_loop3A_301, %parallel_loop3A_302 : vector<16xf32>
        %parallel_loop3A_304 = arith.mulf %parallel_loop3A_297, %parallel_loop3A_303 : vector<16xf32>
        %parallel_loop3A_305 = arith.addf %parallel_loop3A_300, %parallel_loop3A_304 : vector<16xf32>
        %parallel_loop3A_306 = vector.bitcast %parallel_loop3A_300 : vector<16xf32> to vector<16xi32>
        %parallel_loop3A_307 = arith.constant 1 : i32
        %parallel_loop3A_308 = vector.broadcast %parallel_loop3A_307 : i32 to vector<16xi32>
        %parallel_loop3A_309 = arith.shrsi %parallel_loop3A_306, %parallel_loop3A_308 : vector<16xi32>
        %parallel_loop3A_310 = arith.constant 1597463007 : i32
        %parallel_loop3A_311 = vector.broadcast %parallel_loop3A_310 : i32 to vector<16xi32>
        %parallel_loop3A_312 = arith.subi %parallel_loop3A_311, %parallel_loop3A_309 : vector<16xi32>
        %parallel_loop3A_313 = vector.bitcast %parallel_loop3A_312 : vector<16xi32> to vector<16xf32>
        %parallel_loop3A_314 = arith.constant -5.000000e-01 : f32
        %parallel_loop3A_315 = vector.broadcast %parallel_loop3A_314 : f32 to vector<16xf32>
        %parallel_loop3A_316 = arith.mulf %parallel_loop3A_300, %parallel_loop3A_315 : vector<16xf32>
        %parallel_loop3A_317 = arith.mulf %parallel_loop3A_316, %parallel_loop3A_313 : vector<16xf32>
        %parallel_loop3A_318 = arith.mulf %parallel_loop3A_317, %parallel_loop3A_313 : vector<16xf32>
        %parallel_loop3A_319 = arith.constant 1.500000e+00 : f32
        %parallel_loop3A_320 = vector.broadcast %parallel_loop3A_319 : f32 to vector<16xf32>
        %parallel_loop3A_321 = arith.addf %parallel_loop3A_320, %parallel_loop3A_318 : vector<16xf32>
        %parallel_loop3A_322 = arith.mulf %parallel_loop3A_313, %parallel_loop3A_321 : vector<16xf32>
        %parallel_loop3A_323 = arith.cmpf olt, %parallel_loop3A_305, %get3A_43 : vector<16xf32>
        %parallel_loop3A_324 = arith.constant 0.000000e+00 : f32
        %parallel_loop3A_325 = vector.broadcast %parallel_loop3A_324 : f32 to vector<16xf32>
        %parallel_loop3A_326 = arith.select %parallel_loop3A_323, %parallel_loop3A_322, %parallel_loop3A_325 : vector<16xi1>, vector<16xf32>
        %parallel_loop3A_327 = arith.mulf %parallel_loop3A_282, %parallel_loop3A_326 : vector<16xf32>
        %parallel_loop3A_328 = arith.subf %parallel_loop3A_270, %parallel_loop3A_327 : vector<16xf32>
        %parallel_loop3A_329 = arith.mulf %parallel_loop3A_281, %parallel_loop3A_326 : vector<16xf32>
        %parallel_loop3A_330 = arith.addf %parallel_loop3A_272, %parallel_loop3A_329 : vector<16xf32>
        %parallel_loop3A_331 = vector.broadcast %parallel_loop3A_193 : i32 to vector<16xi32>
        %parallel_loop3A_332 = arith.constant true
        %parallel_loop3A_333 = vector.broadcast %parallel_loop3A_332 : i1 to vector<16xi1>
        %parallel_loop3A_334 = tpu.scan <sum>, %parallel_loop3A_328 masked %parallel_loop3A_333 : vector<16xf32>, vector<16xi1> -> vector<16xf32>
        tpu.vector_store_idx %arg13[%parallel_loop3A_331], %parallel_loop3A_334 masked %eq3A_51 : memref<512xf32, #tpu.memory_space<vmem>>[vector<16xi32>], vector<16xf32>, vector<16xi1>
        %parallel_loop3A_335 = arith.constant true
        %parallel_loop3A_336 = vector.broadcast %parallel_loop3A_335 : i1 to vector<16xi1>
        %parallel_loop3A_337 = tpu.scan <sum>, %parallel_loop3A_330 masked %parallel_loop3A_336 : vector<16xf32>, vector<16xi1> -> vector<16xf32>
        tpu.vector_store_idx %arg14[%parallel_loop3A_331], %parallel_loop3A_337 masked %eq3A_51 : memref<512xf32, #tpu.memory_space<vmem>>[vector<16xi32>], vector<16xf32>, vector<16xi1>
      } {sc.loop_unroll_factor = 2 : i64, sc.parallel_access}
      %scan3A_165 = arith.constant 0 : i32
      %scan3A_166 = arith.constant 0 : i32
      %scan3A_167 = arith.constant 32 : i32
      %scan3A_168 = arith.addi %scan3A_166, %scan3A_167 : i32
      %scan3A_169 = arith.constant 1 : i32
      scf.for %scan3A_193 = %scan3A_166 to %scan3A_168 step %scan3A_169  : i32 {
        %mul3A_194 = arith.constant 16 : i32
        %mul3A_195 = arith.muli %scan3A_193, %mul3A_194 : i32
        %mul3A_196 = arith.constant 16 : i32
        %mul3A_197 = arith.muli %scan3A_193, %mul3A_196 : i32
        %add3A_198 = arith.addi %add3A_131, %mul3A_197 : i32
        %get3A_199 = arith.index_cast %add3A_198 : i32 to index
        %get3A_200 = tpu.vector_load %arg10[%get3A_199] {strides = array<i32>} : memref<10016xf32, #tpu.memory_space<vmem>>, vector<16xf32>,
        %get3A_201 = arith.index_cast %mul3A_195 : i32 to index
        %get3A_202 = tpu.vector_load %arg13[%get3A_201] {strides = array<i32>} : memref<512xf32, #tpu.memory_space<vmem>>, vector<16xf32>,
        %mul3A_203 = arith.constant 2.000000e-01 : f32
        %mul3A_204 = vector.broadcast %mul3A_203 : f32 to vector<16xf32>
        %mul3A_205 = arith.mulf %mul3A_204, %get3A_202 : vector<16xf32>
        %add3A_206 = arith.addf %get3A_200, %mul3A_205 : vector<16xf32>
        %mul3A_207 = arith.constant 16 : i32
        %mul3A_208 = arith.muli %scan3A_193, %mul3A_207 : i32
        %add3A_209 = arith.addi %add3A_131, %mul3A_208 : i32
        %get3A_210 = arith.index_cast %add3A_209 : i32 to index
        %get3A_211 = tpu.vector_load %arg11[%get3A_210] {strides = array<i32>} : memref<10016xf32, #tpu.memory_space<vmem>>, vector<16xf32>,
        %get3A_212 = arith.index_cast %mul3A_195 : i32 to index
        %get3A_213 = tpu.vector_load %arg14[%get3A_212] {strides = array<i32>} : memref<512xf32, #tpu.memory_space<vmem>>, vector<16xf32>,
        %mul3A_214 = arith.constant 2.000000e-01 : f32
        %mul3A_215 = vector.broadcast %mul3A_214 : f32 to vector<16xf32>
        %mul3A_216 = arith.mulf %mul3A_215, %get3A_213 : vector<16xf32>
        %add3A_217 = arith.addf %get3A_211, %mul3A_216 : vector<16xf32>
        %mul3A_218 = arith.constant 16 : i32
        %mul3A_219 = arith.muli %scan3A_193, %mul3A_218 : i32
        %add3A_220 = vector.broadcast %mul3A_219 : i32 to vector<16xi32>
        %add3A_221 = arith.addi %add3A_220, %iota3A : vector<16xi32>
        %scatter3A = arith.constant 0 : i32
        %scatter3A_222 = arith.constant 0 : i32
        %scatter3A_223 = tpu.memref_slice %arg15[%rem3A_125, %scatter3A, %scatter3A_222] : memref<2x512x2xf32, #tpu.memory_space<vmem>> -> memref<1x512x2xf32, #tpu.memory_space<vmem>>
        %scatter3A_224 = tpu.memref_squeeze %scatter3A_223 : memref<1x512x2xf32, #tpu.memory_space<vmem>> -> memref<512x2xf32, #tpu.memory_space<vmem>>
        tpu.vector_store_idx %scatter3A_224[%add3A_221, %broadcast_in_dim3A_46], %add3A_206 : memref<512x2xf32, #tpu.memory_space<vmem>>[vector<16xi32>, vector<16xi32>], vector<16xf32>,
        %scatter3A_225 = arith.constant 0 : i32
        %scatter3A_226 = arith.constant 0 : i32
        %scatter3A_227 = tpu.memref_slice %arg15[%rem3A_125, %scatter3A_225, %scatter3A_226] : memref<2x512x2xf32, #tpu.memory_space<vmem>> -> memref<1x512x2xf32, #tpu.memory_space<vmem>>
        %scatter3A_228 = tpu.memref_squeeze %scatter3A_227 : memref<1x512x2xf32, #tpu.memory_space<vmem>> -> memref<512x2xf32, #tpu.memory_space<vmem>>
        tpu.vector_store_idx %scatter3A_228[%add3A_221, %broadcast_in_dim3A_48], %add3A_217 : memref<512x2xf32, #tpu.memory_space<vmem>>[vector<16xi32>, vector<16xi32>], vector<16xf32>,
      }
      %scan3A_170 = arith.constant 32 : i32
      %mul3A_171 = arith.constant 512 : i32
      %mul3A_172 = arith.muli %scan3A_123, %mul3A_171 : i32
      %sub3A_173 = arith.constant 512 : i32
      %sub3A_174 = arith.subi %select_n3A_37, %sub3A_173 : i32
      %min3A_175 = arith.minsi %mul3A_172, %sub3A_174 : i32
      %add3A_176 = arith.addi %mul3A_32, %min3A_175 : i32
      %dma_start3A_177 = arith.constant 0 : i32
      %dma_start3A_178 = arith.constant 0 : i32
      %dma_start3A_179 = tpu.memref_slice %arg15[%rem3A_125, %dma_start3A_177, %dma_start3A_178] : memref<2x512x2xf32, #tpu.memory_space<vmem>> -> memref<1x512x2xf32, #tpu.memory_space<vmem>>
      %dma_start3A_180 = tpu.memref_squeeze %dma_start3A_179 : memref<1x512x2xf32, #tpu.memory_space<vmem>> -> memref<512x2xf32, #tpu.memory_space<vmem>>
      %dma_start3A_181 = arith.constant 0 : i32
      %dma_start3A_182 = tpu.memref_slice %arg5[%select_n3A, %add3A_176, %dma_start3A_181] : memref<16x10000x2xf32, #tpu.memory_space<hbm>> -> memref<1x512x2xf32, #tpu.memory_space<hbm>>
      %dma_start3A_183 = tpu.memref_squeeze %dma_start3A_182 : memref<1x512x2xf32, #tpu.memory_space<hbm>> -> memref<512x2xf32, #tpu.memory_space<hbm>>
      %dma_start3A_184 = tpu.memref_slice %arg18[%rem3A_125] : memref<2x!tpu.dma_semaphore, #tpu.memory_space<semaphore_mem>> -> memref<1x!tpu.dma_semaphore, #tpu.memory_space<semaphore_mem>>
      %dma_start3A_185 = tpu.memref_squeeze %dma_start3A_184 : memref<1x!tpu.dma_semaphore, #tpu.memory_space<semaphore_mem>> -> memref<!tpu.dma_semaphore, #tpu.memory_space<semaphore_mem>>
      %dma_start3A_186 = arith.constant 0 : i32
      %dma_start3A_187 = tpu.memref_slice %arg5[%select_n3A, %add3A_176, %dma_start3A_186] : memref<16x10000x2xf32, #tpu.memory_space<hbm>> -> memref<1x512x2xf32, #tpu.memory_space<hbm>>
      %dma_start3A_188 = tpu.memref_squeeze %dma_start3A_187 : memref<1x512x2xf32, #tpu.memory_space<hbm>> -> memref<512x2xf32, #tpu.memory_space<hbm>>
      %dma_start3A_189 = arith.constant 0 : i32
      %dma_start3A_190 = arith.constant 0 : i32
      %dma_start3A_191 = tpu.memref_slice %arg15[%rem3A_125, %dma_start3A_189, %dma_start3A_190] : memref<2x512x2xf32, #tpu.memory_space<vmem>> -> memref<1x512x2xf32, #tpu.memory_space<vmem>>
      %dma_start3A_192 = tpu.memref_squeeze %dma_start3A_191 : memref<1x512x2xf32, #tpu.memory_space<vmem>> -> memref<512x2xf32, #tpu.memory_space<vmem>>
      tpu.enqueue_dma source(%dma_start3A_192 : memref<512x2xf32, #tpu.memory_space<vmem>>) target(%dma_start3A_188 : memref<512x2xf32, #tpu.memory_space<hbm>>) target_semaphore(%dma_start3A_185 : memref<!tpu.dma_semaphore, #tpu.memory_space<semaphore_mem>>)
    }
    %scan3A_77 = arith.constant 10 : i32
    %sub3A_78 = arith.constant 512 : i32
    %sub3A_79 = arith.subi %select_n3A_37, %sub3A_78 : i32
    %min3A_80 = arith.constant 4096 : i32
    %min3A_81 = arith.minsi %min3A_80, %sub3A_79 : i32
    %add3A_82 = arith.addi %mul3A_32, %min3A_81 : i32
    %dma_wait3A = arith.constant 0 : i32
    %dma_wait3A_83 = arith.constant 0 : i32
    %dma_wait3A_84 = arith.constant 0 : i32
    %dma_wait3A_85 = arith.constant 0 : i32
    %dma_wait3A_86 = tpu.memref_slice %arg15[%dma_wait3A, %dma_wait3A_84, %dma_wait3A_85] : memref<2x512x2xf32, #tpu.memory_space<vmem>> -> memref<1x512x2xf32, #tpu.memory_space<vmem>>
    %dma_wait3A_87 = tpu.memref_squeeze %dma_wait3A_86 : memref<1x512x2xf32, #tpu.memory_space<vmem>> -> memref<512x2xf32, #tpu.memory_space<vmem>>
    %dma_wait3A_88 = arith.constant 0 : i32
    %dma_wait3A_89 = tpu.memref_slice %arg5[%select_n3A, %add3A_82, %dma_wait3A_88] : memref<16x10000x2xf32, #tpu.memory_space<hbm>> -> memref<1x512x2xf32, #tpu.memory_space<hbm>>
    %dma_wait3A_90 = tpu.memref_squeeze %dma_wait3A_89 : memref<1x512x2xf32, #tpu.memory_space<hbm>> -> memref<512x2xf32, #tpu.memory_space<hbm>>
    %dma_wait3A_91 = tpu.memref_slice %arg18[%dma_wait3A_83] : memref<2x!tpu.dma_semaphore, #tpu.memory_space<semaphore_mem>> -> memref<1x!tpu.dma_semaphore, #tpu.memory_space<semaphore_mem>>
    %dma_wait3A_92 = tpu.memref_squeeze %dma_wait3A_91 : memref<1x!tpu.dma_semaphore, #tpu.memory_space<semaphore_mem>> -> memref<!tpu.dma_semaphore, #tpu.memory_space<semaphore_mem>>
    %dma_wait3A_93 = arith.constant 0 : i32
    %dma_wait3A_94 = tpu.memref_slice %arg5[%select_n3A, %add3A_82, %dma_wait3A_93] : memref<16x10000x2xf32, #tpu.memory_space<hbm>> -> memref<1x512x2xf32, #tpu.memory_space<hbm>>
    %dma_wait3A_95 = tpu.memref_squeeze %dma_wait3A_94 : memref<1x512x2xf32, #tpu.memory_space<hbm>> -> memref<512x2xf32, #tpu.memory_space<hbm>>
    %dma_wait3A_96 = arith.constant 0 : i32
    %dma_wait3A_97 = arith.constant 0 : i32
    %dma_wait3A_98 = tpu.memref_slice %arg15[%dma_wait3A, %dma_wait3A_96, %dma_wait3A_97] : memref<2x512x2xf32, #tpu.memory_space<vmem>> -> memref<1x512x2xf32, #tpu.memory_space<vmem>>
    %dma_wait3A_99 = tpu.memref_squeeze %dma_wait3A_98 : memref<1x512x2xf32, #tpu.memory_space<vmem>> -> memref<512x2xf32, #tpu.memory_space<vmem>>
    tpu.wait_dma2 semaphore(%dma_wait3A_92 : memref<!tpu.dma_semaphore, #tpu.memory_space<semaphore_mem>>) src(%dma_wait3A_99 : memref<512x2xf32, #tpu.memory_space<vmem>>) dst(%dma_wait3A_95 : memref<512x2xf32, #tpu.memory_space<hbm>>)
    %sub3A_100 = arith.constant 512 : i32
    %sub3A_101 = arith.subi %select_n3A_37, %sub3A_100 : i32
    %min3A_102 = arith.constant 4608 : i32
    %min3A_103 = arith.minsi %min3A_102, %sub3A_101 : i32
    %add3A_104 = arith.addi %mul3A_32, %min3A_103 : i32
    %dma_wait3A_105 = arith.constant 1 : i32
    %dma_wait3A_106 = arith.constant 1 : i32
    %dma_wait3A_107 = arith.constant 0 : i32
    %dma_wait3A_108 = arith.constant 0 : i32
    %dma_wait3A_109 = tpu.memref_slice %arg15[%dma_wait3A_105, %dma_wait3A_107, %dma_wait3A_108] : memref<2x512x2xf32, #tpu.memory_space<vmem>> -> memref<1x512x2xf32, #tpu.memory_space<vmem>>
    %dma_wait3A_110 = tpu.memref_squeeze %dma_wait3A_109 : memref<1x512x2xf32, #tpu.memory_space<vmem>> -> memref<512x2xf32, #tpu.memory_space<vmem>>
    %dma_wait3A_111 = arith.constant 0 : i32
    %dma_wait3A_112 = tpu.memref_slice %arg5[%select_n3A, %add3A_104, %dma_wait3A_111] : memref<16x10000x2xf32, #tpu.memory_space<hbm>> -> memref<1x512x2xf32, #tpu.memory_space<hbm>>
    %dma_wait3A_113 = tpu.memref_squeeze %dma_wait3A_112 : memref<1x512x2xf32, #tpu.memory_space<hbm>> -> memref<512x2xf32, #tpu.memory_space<hbm>>
    %dma_wait3A_114 = tpu.memref_slice %arg18[%dma_wait3A_106] : memref<2x!tpu.dma_semaphore, #tpu.memory_space<semaphore_mem>> -> memref<1x!tpu.dma_semaphore, #tpu.memory_space<semaphore_mem>>
    %dma_wait3A_115 = tpu.memref_squeeze %dma_wait3A_114 : memref<1x!tpu.dma_semaphore, #tpu.memory_space<semaphore_mem>> -> memref<!tpu.dma_semaphore, #tpu.memory_space<semaphore_mem>>
    %dma_wait3A_116 = arith.constant 0 : i32
    %dma_wait3A_117 = tpu.memref_slice %arg5[%select_n3A, %add3A_104, %dma_wait3A_116] : memref<16x10000x2xf32, #tpu.memory_space<hbm>> -> memref<1x512x2xf32, #tpu.memory_space<hbm>>
    %dma_wait3A_118 = tpu.memref_squeeze %dma_wait3A_117 : memref<1x512x2xf32, #tpu.memory_space<hbm>> -> memref<512x2xf32, #tpu.memory_space<hbm>>
    %dma_wait3A_119 = arith.constant 0 : i32
    %dma_wait3A_120 = arith.constant 0 : i32
    %dma_wait3A_121 = tpu.memref_slice %arg15[%dma_wait3A_105, %dma_wait3A_119, %dma_wait3A_120] : memref<2x512x2xf32, #tpu.memory_space<vmem>> -> memref<1x512x2xf32, #tpu.memory_space<vmem>>
    %dma_wait3A_122 = tpu.memref_squeeze %dma_wait3A_121 : memref<1x512x2xf32, #tpu.memory_space<vmem>> -> memref<512x2xf32, #tpu.memory_space<vmem>>
    tpu.wait_dma2 semaphore(%dma_wait3A_115 : memref<!tpu.dma_semaphore, #tpu.memory_space<semaphore_mem>>) src(%dma_wait3A_122 : memref<512x2xf32, #tpu.memory_space<vmem>>) dst(%dma_wait3A_118 : memref<512x2xf32, #tpu.memory_space<hbm>>)
    return
  }
}

</mosaic_0001>

<sc_bundles>
// kernel: _rvo_call.3.cloned.1.call-start
scs
__scs_entry_jumppad:
0x0: {  	(pc) =	sbr.rel $0x88, $3  }
0x1: {  	(tag) =	ssettag $0x0;
	lr =	simm.s32 $0x1  }
0x2: {  	[smem:$0x3F9E] =	sst lr;
	_ =	strace $0xD0000000  }
0x3: {  	_ = 	snop  }
0x4: {  	_ = 	snop  }
0x5: {  	_ = 	snop  }
0x6: {  	_ = 	snop  }
0x7: {  	_ = 	snop  }
__scs_overlays_trampoline_lowered:
0x8: {  	[smem:$0x3FAD] =	sst s0  }
0x9: {  	[smem:$0x3FAE] =	sst s1  }
0xa: {  	[smem:$0x3FAF] =	sst s2  }
0xb: {  	[smem:$0x3FB0] =	sst s3  }
0xc: {  	[smem:$0x3FB1] =	sst s4  }
0xd: {  	[smem:$0x3FB2] =	sst s5  }
0xe: {  	[smem:$0x3FB3] =	sst s6  }
0xf: {  	[smem:$0x3FB4] =	sst s7  }
0x10: {  	[smem:$0x3FB5] =	sst s8  }
0x11: {  	[smem:$0x3FB6] =	sst s9;
	s0 =	simm.s32 @!p0 $0x0  }
0x12: {  	s1 =	sld [smem:$0x3F9C];
	s0 =	simm.s32 @p0 $0x1  }
0x13: {  	[smem:$0x3FB7] =	sst s0;
	s0 =	simm.s32 @!p1 $0x0  }
0x14: {  	s2 =	sld [smem:$0x3F9B];
	s0 =	simm.s32 @p1 $0x1  }
0x15: {  	[smem:$0x3FB8] =	sst s0;
	s0 =	simm.s32 @!p2 $0x0  }
0x16: {  	s3 =	sld [smem:$0x3FDB];
	s0 =	simm.s32 @p2 $0x1  }
0x17: {  	s4 =	simm.s32 $0x1BF5;
	[smem:$0x3FBA] =	sst s0  }
0x18: {  	s0 =	sld [smem:$0x3F9D];
	_ =	swait.ge [sflag:s4], $0x0  }
0x19: {  	s7 =	sld [smem:$0x3F9E]  }
0x1a: {  	s8 =	sadd.s32 $0xFFFFE003, lr  }
0x1b: {  	s9 =	sadd.s32 $0xFFFFFEF7, lr;
	s5 =	simm.s32 $0xFFFFFFFF;
	p2 =	slt.u32 s8, $0xFFFFF086  }
0x1c: {  	p1 =	slt.u32 s9, $0xF7A;
	s5 =	simm.s32 @!p2 $0x0  }
0x1d: {  	s5 =	simm.s32 @p1 $0x1;
	p0 =	seq.s32 s7, s2  }
0x1e: {  	s7 =	smul.u32 @!p0 $0xF7A, s2;
	p2 =	seq.s32 @!p0 s5, $0x0  }
0x1f: {  	s9 =	smul.u32 $0xF7A, s1;
	s8 =	simm.s32 @!p0 $0x1BF5;
	p2 =	por !p2, p0  }
0x20: {  	[sflag:s8] =	ssyncset.s32 @!p0 $0xFFFFF086;
	s6 =	sadd.s32 @!p0 s3, s7;
	s7 =	simm.s32 @!p0 $0x108  }
0x21: {  	s3 =	sadd.s32 s3, s9;
	s6 =	sadd.s32 @!p0 $0x88, s6;
	s7 =	simm.s32 @p2 $0x1082  }
0x22: {  	[simem:s7], [sflag:s8] =	dma.local @!p0 [hbm:s6], $0xF7A  }
0x23: {  	s9 =	sor.u32 $0xD0000000, s2;
	s6 =	simm.s32 $0x108;
	_ =	swait.ge @!p0 [sflag:s8], $0x0  }
0x24: {  	s3 =	sadd.s32 $0x88, s3;
	s6 =	simm.s32 @!p1 $0x1082;
	[sflag:s4] =	ssyncset.s32 $0xFFFFF086  }
0x25: {  	[simem:s6], [sflag:s4] =	dma.local [hbm:s3], $0xF7A  }
0x26: {  	[smem:$0x3F9E] =	sst s1;
	(tag) =	ssettag s2;
	_ =	strace s9  }
0x27: {  	s1 =	sld [smem:$0x3FAE]  }
0x28: {  	s2 =	sld [smem:$0x3FAF]  }
0x29: {  	s4 =	sld [smem:$0x3FB1]  }
0x2a: {  	p0 =	seq.s32 s5, $0x0;
	s5 =	sld [smem:$0x3FB2]  }
0x2b: {  	s6 =	sld [smem:$0x3FB3]  }
0x2c: {  	s7 =	sld [smem:$0x3FB4]  }
0x2d: {  	s3 =	simm.s32 $0x108;
	s8 =	sld [smem:$0x3FB5]  }
0x2e: {  	s3 =	simm.s32 @!p0 $0x1082;
	s9 =	sld [smem:$0x3FB6]  }
0x2f: {  	lr =	sadd.s32 s0, s3;
	s0 =	sld [smem:$0x3FAD]  }
0x30: {  	s3 =	sld [smem:$0x3FB0]  }
0x31: {  	[smem:$0x3FB9] =	sst s10  }
0x32: {  	s10 =	sld [smem:$0x3FB7];
	_ =	sdelay $0x3  }
0x33: {  	p0 =	seq.s32 s10, $0x1;
	s10 =	sld [smem:$0x3FB9];
	_ =	sdelay $0x3  }
0x34: {  	[smem:$0x3FB9] =	sst s10  }
0x35: {  	s10 =	sld [smem:$0x3FB8];
	_ =	sdelay $0x3  }
0x36: {  	p1 =	seq.s32 s10, $0x1;
	s10 =	sld [smem:$0x3FB9];
	_ =	sdelay $0x3  }
0x37: {  	[smem:$0x3FB9] =	sst s10  }
0x38: {  	s10 =	sld [smem:$0x3FBA]  }
0x39: {  	_ = 	snop;
	(pc) =	sbr.ind lr, $3  }
0x3a: {  	_ = 	snop  }
0x3b: {  	_ = 	snop  }
0x3c: {  	p2 =	seq.s32 s10, $0x1;
	s10 =	sld [smem:$0x3FB9]  }
0x3d: {  	_ =	shalt  }
0x3e: {  	_ =	shalt  }
0x3f: {  	_ =	shalt  }
0x40: {  	_ =	shalt  }
0x41: {  	_ =	shalt  }
0x42: {  	_ =	shalt  }
0x43: {  	_ =	shalt  }
0x44: {  	_ =	shalt  }
0x45: {  	_ =	shalt  }
0x46: {  	_ =	shalt  }
0x47: {  	_ =	shalt  }
0x48: {  	_ =	shalt  }
0x49: {  	_ =	shalt  }
0x4a: {  	_ =	shalt  }
0x4b: {  	_ =	shalt  }
0x4c: {  	_ =	shalt  }
0x4d: {  	_ =	shalt  }
0x4e: {  	_ =	shalt  }
0x4f: {  	_ =	shalt  }
0x50: {  	_ =	shalt  }
0x51: {  	_ =	shalt  }
0x52: {  	_ =	shalt  }
0x53: {  	_ =	shalt  }
0x54: {  	_ =	shalt  }
0x55: {  	_ =	shalt  }
0x56: {  	_ =	shalt  }
0x57: {  	_ =	shalt  }
0x58: {  	_ =	shalt  }
0x59: {  	_ =	shalt  }
0x5a: {  	_ =	shalt  }
0x5b: {  	_ =	shalt  }
0x5c: {  	_ =	shalt  }
0x5d: {  	_ =	shalt  }
0x5e: {  	_ =	shalt  }
0x5f: {  	_ =	shalt  }
0x60: {  	_ =	shalt  }
0x61: {  	_ =	shalt  }
0x62: {  	_ =	shalt  }
0x63: {  	_ =	shalt  }
0x64: {  	_ =	shalt  }
0x65: {  	_ =	shalt  }
0x66: {  	_ =	shalt  }
0x67: {  	_ =	shalt  }
0x68: {  	_ =	shalt  }
0x69: {  	_ =	shalt  }
0x6a: {  	_ =	shalt  }
0x6b: {  	_ =	shalt  }
0x6c: {  	_ =	shalt  }
0x6d: {  	_ =	shalt  }
0x6e: {  	_ =	shalt  }
0x6f: {  	_ =	shalt  }
0x70: {  	_ =	shalt  }
0x71: {  	_ =	shalt  }
0x72: {  	_ =	shalt  }
0x73: {  	_ =	shalt  }
0x74: {  	_ =	shalt  }
0x75: {  	_ =	shalt  }
0x76: {  	_ =	shalt  }
0x77: {  	_ =	shalt  }
0x78: {  	_ =	shalt  }
0x79: {  	_ =	shalt  }
0x7a: {  	_ =	shalt  }
0x7b: {  	_ =	shalt  }
0x7c: {  	_ =	shalt  }
0x7d: {  	_ =	shalt  }
0x7e: {  	_ =	shalt  }
0x7f: {  	_ =	shalt  }
0x80: {  	_ =	shalt  }
0x81: {  	_ =	shalt  }
0x82: {  	_ =	shalt  }
0x83: {  	_ =	shalt  }
0x84: {  	_ =	shalt  }
0x85: {  	_ =	shalt  }
0x86: {  	_ =	shalt  }
0x87: {  	_ =	shalt  }
.Lfunc_end0:
.L_simem_size_0:
called_computation_lowered:
.L_overlay_start_0:
0x88: {  	s2 =	sld [smem:$0x3FD9]  }
0x89: {  	s3 =	sld [smem:$0x3FFE];
	_ =	sdelay $0x1  }
0x8a: {  	s1 =	srdreg.scid  }
0x8b: {  	s0 =	sand.u32 $0x1, s1  }
0x8c: {  	s17 =	sshll.u32 s0, $0xA;
	s2 =	sadd.s32 s3, s2  }
0x8d: {  	s2 =	sadd.s32 s2, s17  }
0x8e: {  	[smem:$0x3FC5] =	sst s2  }
0x8f: {  	_ = 	snop  }
0x90: {  	s2 =	sld [smem:$0x3FC7];
	(tm) =	ssettm $0x1  }
0x91: {  	s18 =	sld [smem:$0x3FFB];
	_ =	sdelay $0x3  }
0x92: {  	_ =	strace s18  }
0x93: {  	s3 =	sld [smem:$0x3FFC];
	_ =	sdelay $0x3  }
0x94: {  	_ =	strace s3  }
0x95: {  	s3 =	sld [smem:$0x3FFD];
	_ =	sdelay $0x3  }
0x96: {  	_ =	strace s3  }
0x97: {  	_ =	strace $0x8FFFFFFF  }
0x98: {  	s19 =	sld [smem:$0x3FDB];
	_ =	sdelay $0x1  }
0x99: {  	s4 =	simm.s32 $_scs_section_size  }
0x9a: {  	s5 =	simm.s32 $_size__tile_overlayer_lowered;
	s6 =	simm.s32 $_tile_overlayer_lowered  }
0x9b: {  	s22 =	simm.s32 $0x1BFF;
	s21 =	sshll.u32 s6, $0x1;
	s3 =	sadd.s32 s4, s19  }
0x9c: {  	s7 =	simm.s32 $0x0;
	s20 =	sshll.u32 s5, $0x1;
	s5 =	sadd.s32 s21, s3  }
0x9d: {  	[timem:s7], [sflag:s22] =	dma.local [hbm:s5], s20  }
0x9e: {  	_ =	swait.ge [sflag:s22], s20  }
0x9f: {  	s4 =	ssub.s32 $0x0, s20;
	[sflag:s22] =	ssyncset.done $0x0  }
0xa0: {  	[sflag:s22] =	ssyncadd.s32 s4;
	_ =	sdelay $0x1  }
0xa1: {  	s23 =	simm.s32 $0x1B8B  }
0xa2: {  	_ =	swait.ge [sflag:s23], $0x1  }
0xa3: {  	[sflag:s23] =	ssyncset.done $0x0  }
0xa4: {  	s25 =	simm.s32 $0x1B8E;
	s24 =	sld [smem:$0x3FFE];
	[sflag:s23] =	ssyncadd.s32 $0xFFFFFFFF  }
0xa5: {  	s26 =	simm.s32 $execute0_lowered;
	[smem:$0x3FD2] =	sst s25  }
0xa6: {  	s5 =	sshll.u32 s26, $0x1;
	_ =	strace $0x80000046;
	[dreg:$0x1] =	wrdreg $0xFFFFFFFF  }
0xa7: {  	s28 =	simm.s32 $_size_execute0_lowered;
	s3 =	sadd.s32 s3, s5;
	[dreg:$0x0] =	wrdreg $0x0  }
0xa8: {  	s5 =	sshll.u32 s28, $0x1;
	[dreg:$0x2] =	wrdreg s3  }
0xa9: {  	[dreg:$0x3] =	wrdreg s5  }
0xaa: {  	[dreg:$0x4] =	wrdreg $0xC0  }
0xab: {  	_ =	task [dreg:s7], $0x5FFFF  }
0xac: {  	[dreg:$0x1] =	wrdreg $0xFFFFFFFF  }
0xad: {  	[dreg:$0x0] =	wrdreg $0x60  }
0xae: {  	[dreg:$0x2] =	wrdreg s24  }
0xaf: {  	[dreg:$0x3] =	wrdreg s2  }
0xb0: {  	[dreg:$0x4] =	wrdreg $0x9  }
0xb1: {  	_ =	task.clear_ibuf [dreg:s7], $0x5FFFF;
	_ =	strace $0x90000046  }
0xb2: {  	s29 =	simm.s32 $0x9;
	_ =	strace $0x80000048  }
0xb3: {  	_ =	swait.ge [sflag:s29], $0x1  }
0xb4: {  	[sflag:s29] =	ssyncadd.s32 $0xFFFFFFFF  }
0xb5: {  	_ =	strace $0x90000048  }
0xb6: {  	_ =	sfence  }
0xb7: {  	s30 =	sld [smem:$0x0];
	_ =	sdelay $0x2  }
0xb8: {  	s31 =	sshll.u32 s1, $0xD;
	s1 =	sshrl.u32 s1, $0x2  }
0xb9: {  	s3 =	sand.u32 $0x4000, s31;
	s1 =	sadd.s32 s1, s30  }
0xba: {  	s0 =	sor.u32 s3, s0;
	s1 =	sshll.u32 s1, $0x11  }
0xbb: {  	s0 =	sor.u32 s1, s0  }
0xbc: {  	s0 =	sadd.s32 $0x8F2B, s0  }
0xbd: {  	[sflag:s0] =	ssyncadd.remote.s32 $0x1  }
0xbe: {  	_ =	sfence.sel $0xFFFF  }
0xbf: {  	[dreg:$0x0] =	wrdreg $0xFFFFFFFF;
	(pc) =	sbr.abs _section_cstart, $3  }
0xc0: {  	[dreg:$0x1] =	wrdreg $0xFFFFFFFF  }
0xc1: {  	_ =	task.clear_ibuf [dreg:s7], $0x2FFFF;
	_ =	strace $0x9FFFFFFF  }
0xc2: {  	(tm) =	ssettm $0x7FFFFFFF  }
0xc3: {  	_ =	shalt  }
tec
execute0_lowered:
.L_overlay_start_1:
0x0: {  	(tag) =	ssettag $0x1  }
0x1: {  	s0 =	srdreg.scid  }
0x2: {  	s4 =	stileid.u32;
	s1 =	rddreg [dreg:$0x0]  }
0x3: {  	s3 =	simm.s32 $0x0;
	s14 =	simm.s32 $0x1190;
	s28 =	simm.s32 $0x7560  }
0x4: {  	s0 =	sand.u32 $0x1, s0;
	[smem:$0x7FF] =	sst s3;
	s15 =	sadd.s32 $0x600, s1  }
0x5: {  	s10 =	sadd.s32 $0x271600, s1;
	s1 =	sadd.s32 $0x1DC00, s1;
	s2 =	sor.u32 s0, s4  }
0x6: {  	p1 =	seq.s32 s0, $0x1;
	_ =	strace $0x80000047;
	s5 =	ssub.s32 $0x2, s0  }
0x7: {  	[dreg:$0x4] =	wrdreg s1;
	s6 =	smul.u32 $0x1390, s0;
	p0 =	seq.s32 s2, $0x0  }
0x8: {  	s24 =	smul.u32 $0x27200, s0;
	s16 =	sshrl.u32 s5, $0x1;
	p0 =	por !p0, !p1  }
0x9: {  	s2 =	simm.s32 $0x1;
	s1 =	ssub.s32 s5, s16;
	p0 =	por !p0, !p0  }
0xa: {  	[dreg:$0x3] =	wrdreg s10;
	s1 =	smax.u32 s1, $0x1;
	s2 =	simm.s32 @!p0 $0x0  }
0xb: {  	p0 =	seq.s32 s0, $0x0;
	s0 =	smul.u32 $0x4E40, s0;
	s2 =	ssub.s32 s4, s2  }
0xc: {  	[dreg:$0xf] =	wrdreg s1;
	s14 =	simm.s32 @!p0 $0x1180;
	s7 =	smul.u32 $0xEA60, s2  }
0xd: {  	s22 =	smul.u32 $0x4E200, s2;
	s26 =	sor.u32 $0x4, s0;
	s0 =	sshrl.u32 s0, $0x2  }
0xe: {  	s2 =	smul.u32 $0x2710, s2;
	s29 =	sshrl.u32 s26, $0x2;
	s31 =	sadd.s32 $0x9C80, s0  }
0xf: {  	s0 =	sadd.s32 $0xC3A0, s0;
	s26 =	simm.s32 $0x4E40;
	[dreg:$0x9] =	wrdreg s22  }
0x10: {  	s17 =	sshrl.u32 s7, $0x3;
	s18 =	sadd.s32 $0x2710, s7;
	[dreg:$0xe] =	wrdreg s2  }
0x11: {  	s8 =	sadd.s32 $0x4E20, s7;
	s9 =	sadd.s32 $0x7530, s7;
	[dreg:$0xd] =	wrdreg s29  }
0x12: {  	s23 =	sadd.s32 $0x9C40, s7;
	s7 =	sadd.s32 $0xC350, s7;
	[dreg:$0x11] =	wrdreg s31  }
0x13: {  	s25 =	sadd.s32 s24, s22;
	s30 =	sadd.s32 $0xC3A0, s29;
	[dreg:$0x12] =	wrdreg s0  }
0x14: {  	s0 =	simm.s32 $0x16AC0;
	s2 =	simm.s32 $0x16CC0;
	s5 =	sadd.s32 s15, s17  }
0x15: {  	s19 =	sshrl.u32 s8, $0x3;
	s20 =	sshrl.u32 s9, $0x3;
	[dreg:$0x10] =	wrdreg s30  }
0x16: {  	s7 =	sshrl.u32 s7, $0x3;
	[dreg:$0x5] =	wrdreg s5;
	s21 =	sadd.s32 s15, s20  }
0x17: {  	s5 =	sshrl.u32 s18, $0x3;
	s4 =	sadd.s32 s15, s7;
	[dreg:$0x8] =	wrdreg s21  }
0x18: {  	s20 =	sadd.s32 $0x9C80, s29;
	s5 =	sadd.s32 s15, s5;
	[dreg:$0xb] =	wrdreg s4  }
0x19: {  	s4 =	sshrl.u32 s25, $0x3;
	[dreg:$0x6] =	wrdreg s5;
	s5 =	sadd.s32 s15, s19  }
0x1a: {  	s4 =	sadd.s32 s10, s4;
	[dreg:$0x7] =	wrdreg s5;
	s5 =	sshrl.u32 s23, $0x3  }
0x1b: {  	v0 =	vlaneseq.u32;
	s21 =	sadd.s32 $0x2720, s29;
	[dreg:$0xc] =	wrdreg s4;
	s5 =	sadd.s32 s15, s5  }
0x1c: {  	vm0 =	vcmask $0x3F3C;
	v0 =	vmul.u32 $0x8, v0;
	s25 =	simm.s32 $0x2720;
	[dreg:$0xa] =	wrdreg s5;
	s5 =	simm.s32 $0x0  }
.LBB2_1:
0x1d: {  	[dreg:$0x13] =	wrdreg s5  }
0x1e: {  	s1 =	rddreg [dreg:$0x5];
	s4 =	simm.s32 $0x5  }
0x1f: {  	[tilespmem:s3], [sflag:$0x5] =	stream.linear.gather [hbm4b:s1+s3], $0x2710, $0x38;
	[tilespmem:$0x18ED0] =	vst v63  }
0x20: {  	_ =	swait.ge [sflag:s4], $0x2710  }
0x21: {  	[sflag:s4] =	ssyncset.done $0x0  }
0x22: {  	s15 =	rddreg [dreg:$0x6];
	[sflag:s4] =	ssyncadd.s32 $0xFFFFD8F0  }
0x23: {  	[tilespmem:s25], [sflag:$0x5] =	stream.linear.gather [hbm4b:s15+s3], $0x2710, $0x38;
	[tilespmem:$0x18ED0] =	vst v63  }
0x24: {  	_ =	swait.ge [sflag:s4], $0x2710  }
0x25: {  	[sflag:s4] =	ssyncset.done $0x0  }
0x26: {  	s16 =	rddreg [dreg:$0x7];
	[sflag:s4] =	ssyncadd.s32 $0xFFFFD8F0  }
0x27: {  	[tilespmem:s26], [sflag:$0x5] =	stream.linear.gather [hbm4b:s16+s3], $0x2710, $0x38;
	[tilespmem:$0x18ED0] =	vst v63  }
0x28: {  	_ =	swait.ge [sflag:s4], $0x2710  }
0x29: {  	[sflag:s4] =	ssyncset.done $0x0  }
0x2a: {  	s17 =	rddreg [dreg:$0x8];
	[sflag:s4] =	ssyncadd.s32 $0xFFFFD8F0  }
0x2b: {  	[tilespmem:s28], [sflag:$0x5] =	stream.linear.gather [hbm4b:s17+s3], $0x2710, $0x38;
	[tilespmem:$0x18ED0] =	vst v63  }
0x2c: {  	_ =	swait.ge [sflag:s4], $0x2710  }
0x2d: {  	[sflag:s4] =	ssyncset.done $0x0  }
0x2e: {  	s19 =	simm.s32 $0x9C80;
	s18 =	rddreg [dreg:$0xa];
	[sflag:s4] =	ssyncadd.s32 $0xFFFFD8F0  }
0x2f: {  	[tilespmem:s19], [sflag:$0x5] =	stream.linear.gather [hbm4b:s18+s3], $0x2710, $0x38;
	[tilespmem:$0x18ED0] =	vst v63  }
0x30: {  	_ =	swait.ge [sflag:s4], $0x2710  }
0x31: {  	[sflag:s4] =	ssyncset.done $0x0  }
0x32: {  	s23 =	simm.s32 $0xC3A0;
	s22 =	rddreg [dreg:$0xb];
	[sflag:s4] =	ssyncadd.s32 $0xFFFFD8F0  }
0x33: {  	[tilespmem:s23], [sflag:$0x5] =	stream.linear.gather [hbm4b:s22+s3], $0x2710, $0x38;
	[tilespmem:$0x18ED0] =	vst v63  }
0x34: {  	_ =	swait.ge [sflag:s4], $0x2710  }
0x35: {  	[sflag:s4] =	ssyncset.done $0x0  }
0x36: {  	[sflag:s4] =	ssyncadd.s32 $0xFFFFD8F0  }
0x37: {  	s29 =	simm.s32 $0x18EC0;
	s24 =	rddreg [dreg:$0x1]  }
0x38: {  	[tilespmem:s29], [sflag:$0x5] =	stream.linear.gather [hbm4b:s24+s3], $0x10, $0x38;
	[tilespmem:$0x18ED0] =	vst v63  }
0x39: {  	s31 =	simm.s32 $0xEAC0;
	_ =	swait.ge [sflag:s4], $0x10  }
0x3a: {  	p0 =	por $0x0, $0x0;
	s7 =	simm.s32 $0x0;
	[sflag:s4] =	ssyncset.done $0x0  }
0x3b: {  	s1 =	simm.s32 $0x0;
	s30 =	rddreg [dreg:$0xc];
	[sflag:s4] =	ssyncadd.s32 $0xFFFFFFF0  }
0x3c: {  	v1 =	vld [tilespmem:$0x18EC0];
	[tilespmem:s31], [sflag:$0x1] =	stream.linear.gather [hbm4b:s30+s3], $0x4000, $0x38  }
.LBB2_2:
0x3d: {  	s4 =	smov.u32 s7  }
0x3e: {  	s7 =	sadd.s32 $0x1, s7;
	p2 =	slt.s32 s14, s1;
	p1 =	seq.s32 s4, $0x9  }
0x3f: {  	s10 =	smov.u32 s1;
	s12 =	rddreg [dreg:$0x9];
	s5 =	sshll.u32 @!p1 s7, $0x9  }
0x40: {  	s13 =	rddreg [dreg:$0x12];
	s8 =	sand.u32 $0x1, s4;
	s5 =	smin.u32 @!p1 s5, s14  }
0x41: {  	s10 =	smov.u32 @p2 s14;
	s9 =	sxor.u32 @!p1 $0x1, s8;
	s5 =	sadd.s32 @!p1 s6, s5  }
0x42: {  	s11 =	sshll.u32 s10, $0x2;
	s16 =	sadd.s32 $0x1, s8;
	s5 =	sshll.u32 @!p1 s5, $0x5  }
0x43: {  	s15 =	sshra.s32 s11, $0x2;
	s5 =	sadd.s32 @!p1 s12, s5;
	s12 =	sshll.u32 @!p1 s9, $0xE  }
0x44: {  	s11 =	sadd.s32 @!p1 $0xEAC0, s12;
	s5 =	sshrl.u32 @!p1 s5, $0x3;
	s12 =	rddreg [dreg:$0x3]  }
0x45: {  	s9 =	sadd.s32 @!p1 $0x1, s9;
	s5 =	sadd.s32 @!p1 s12, s5;
	s12 =	simm.s32 @!p1 $0x0  }
0x46: {  	[tilespmem:s11], [sflag:s9] =	stream.linear.gather @!p1 [hbm4b:s5+s12], $0x4000, $0x38;
	[tilespmem:$0x18ED0] =	vst v63  }
0x47: {  	s12 =	rddreg [dreg:$0x11];
	_ =	swait.ge [sflag:s16], $0x4000  }
0x48: {  	s18 =	sadd.s32 s10, s6;
	p1 =	slt.u32 s4, $0x2;
	[sflag:s16] =	ssyncset.done $0x0  }
0x49: {  	s10 =	simm.s32 $0x1;
	s11 =	sadd.s32 @!p1 $0x3, s8;
	[sflag:s16] =	ssyncadd.s32 $0xFFFFC000  }
0x4a: {  	s10 =	simm.s32 @!p0 $0x0;
	_ =	swait.ge @!p1 [sflag:s11], $0x1000  }
0x4b: {  	s17 =	sshll.u32 s10, $0xE;
	[sflag:s11] =	ssyncset.done @!p1 $0x0  }
0x4c: {  	s5 =	sadd.s32 $0xEAE0, s17;
	[sflag:s11] =	ssyncadd.s32 @!p1 $0xFFFFF000  }
0x4d: {  	v3 =	vld [tilespmem:s5+$0xFFFFFFE0]  }
0x4e: {  	v2 =	vld [tilespmem:s5+$0xFFFFFFF0]  }
0x4f: {  	s19 =	sadd.s32 s15, s20;
	s4 =	sshll.u32 s4, $0x9;
	v4 =	vld [tilespmem:s5+$0x10]  }
0x50: {  	s23 =	sadd.s32 $0x0, s18;
	s4 =	smin.u32 s4, s14;
	v5 =	vld.msk [tilespmem:s19+$0x0 ss:$0x0], $0xffff;
	s19 =	rddreg [dreg:$0x10]  }
0x51: {  	s10 =	sadd.s32 s6, s4;
	s4 =	simm.s32 $0x0;
	v6 =	vld [tilespmem:s5+$0x0];
	s22 =	sadd.s32 s15, s19  }
0x52: {  	s17 =	sadd.s32 s15, s21;
	s11 =	sand.u32 $0x7FF8, s23;
	v10 =	vld.msk [tilespmem:s22+$0x0 ss:$0x0], $0xffff;
	s22 =	sand.u32 $0x6, s4  }
0x53: {  	v14 =	vld.msk [tilespmem:s17+$0x0 ss:$0x0], $0xffff;
	s11 =	sor.u32 s22, s11  }
0x54: {  	v16 =	vld.msk [tilespmem:s11+$0x0 ss:$0x0], $0xffff  }
0x55: {  	v17 =	vld.msk [tilespmem:s11+$0xC3A0 ss:$0x0], $0xffff  }
0x56: {  	v18 =	vld.msk [tilespmem:s11+$0x2720 ss:$0x0], $0xffff  }
0x57: {  	v21 =	vld.msk [tilespmem:s11+$0x9C80 ss:$0x0], $0xffff  }
0x58: {  	v7 =	vld.idx.msk [tilespmem:v3+s3+$0x0], $0xffff  }
0x59: {  	v8 =	vld.idx.msk [tilespmem:v2+s25+$0x0], $0xffff  }
0x5a: {  	v9 =	vld.idx.msk [tilespmem:v3+s25+$0x0], $0xffff  }
0x5b: {  	v12 =	vld.idx.msk [tilespmem:v2+s3+$0x0], $0xffff  }
0x5c: {  	v13 =	vld.idx.msk [tilespmem:v4+s28+$0x0], $0xffff  }
0x5d: {  	v15 =	vld.idx.msk [tilespmem:v2+s28+$0x0], $0xffff  }
0x5e: {  	v19 =	vld.idx.msk [tilespmem:v3+s28+$0x0], $0xffff  }
0x5f: {  	v11 =	vld.idx.msk [tilespmem:v4+s26+$0x0], $0xffff  }
0x60: {  	v20 =	vld.idx.msk [tilespmem:v2+s26+$0x0], $0xffff  }
0x61: {  	v22 =	vld.idx.msk [tilespmem:v6+s25+$0x0], $0xffff;
	v7 =	vsub.f32 v16, v7;
	v2 =	vsub.f32 v16, v12  }
0x62: {  	s16 =	rddreg [dreg:$0xd];
	v12 =	vsub.f32 v17, v15;
	v15 =	vld.idx.msk [tilespmem:v3+s26+$0x0], $0xffff;
	v3 =	vsub.f32 v18, v8  }
0x63: {  	s24 =	sadd.s32 s15, s16;
	v8 =	vsub.f32 v17, v19;
	v13 =	vsub.f32 v10, v13  }
0x64: {  	v24 =	vld.msk [tilespmem:s24+$0x0 ss:$0x0], $0xffff;
	v11 =	vsub.f32 v5, v11;
	v16 =	vsub.f32 v18, v9  }
0x65: {  	v17 =	vld.idx.msk [tilespmem:v4+s3+$0x0], $0xffff;
	v18 =	vsub.f32 v21, v20;
	v19 =	vmul.f32 v12, v12;
	v9 =	vmul.f32 v12, v3  }
0x66: {  	v20 =	vld.idx.msk [tilespmem:v6+s26+$0x0], $0xffff;
	v23 =	vsub.f32 v14, v22;
	v22 =	vmul.f32 v13, v13;
	v25 =	vmul.f32 v11, v11  }
0x67: {  	v4 =	vld.idx.msk [tilespmem:v4+s25+$0x0], $0xffff;
	v26 =	vmul.f32 v8, v8;
	v27 =	vmul.f32 v7, v7  }
0x68: {  	v12 =	vld.idx.msk [tilespmem:v6+s28+$0x0], $0xffff;
	v28 =	vmul.f32 v18, v18;
	v18 =	vmul.f32 v18, v2  }
0x69: {  	v6 =	vld.idx.msk [tilespmem:v6+s3+$0x0], $0xffff;
	v8 =	vmul.f32 v8, v16;
	v31 =	vmul.f32 v3, v3  }
0x6a: {  	v22 =	vadd.f32 v22, v25;
	v25 =	vmul.f32 v23, v23;
	v9 =	vadd.f32 v9, v18  }
0x6b: {  	v15 =	vsub.f32 v21, v15;
	v21 =	vmul.f32 v16, v16;
	v17 =	vsub.f32 v24, v17  }
0x6c: {  	v5 =	vsub.f32 v5, v20;
	v14 =	vsub.f32 v14, v4;
	(erf) = vrcp.f32 v22  }
0x6d: {  	v29 =	vmul.f32 v15, v15;
	v10 =	vsub.f32 v10, v12;
	v12 =	vadd.f32 v19, v28  }
0x6e: {  	v19 =	vmul.f32 v11, v17;
	v4 =	vsub.f32 v24, v6;
	v6 =	vmul.f32 v5, v5  }
0x6f: {  	v13 =	vmul.f32 v13, v14;
	v15 =	vmul.f32 v15, v7;
	v20 =	vadd.f32 v26, v29  }
0x70: {  	v21 =	vadd.f32 v21, v27;
	v11 =	vmul.f32 v10, v10;
	(erf) = vrcp.f32 v12  }
0x71: {  	s11 =	sadd.s32 $0x40, s5;
	v63 =	vadd.f32 v9, v9;
	v10 =	vmul.f32 v10, v23;
	(erf) = vrcp.f32 v20  }
0x72: {  	v34 =	vld [tilespmem:s11+$0x0];
	v5 =	vmul.f32 v5, v4;
	v24 =	vmul.f32 $5.000000000e-01, v21;
	v6 =	vadd.f32 v11, v6  }
0x73: {  	v26 =	vshra.s32 v21, $0x1;
	v28 =	vmul.f32 v4, v4;
	v29 =	vmul.f32 v17, v17  }
0x74: {  	v5 =	vadd.f32 v10, v5;
	v10 =	vadd.f32 v13, v19;
	(erf) = vrcp.f32 v6  }
0x75: {  	s30 =	sadd.s32 $0x2, s20;
	v26 =	vsub.s32 $0x5F3759DF, v26;
	v11 =	vld [tilespmem:s11+$0xFFFFFFE0];
	v13 =	vmul.f32 v14, v14;
	v25 =	vadd.f32 v25, v28;
	v30 =	vpop (erf)  }
0x76: {  	s17 =	sadd.s32 s15, s30;
	s31 =	sadd.s32 $0x2, s19;
	v8 =	vadd.f32 v8, v15;
	v19 =	vld [tilespmem:s11+$0xFFFFFFF0];
	v24 =	vmul.f32 v26, v24;
	v15 =	vmul.f32 v30, v10  }
0x77: {  	s24 =	sadd.s32 $0x2, s16;
	v32 =	vld.msk [tilespmem:s17+$0x0 ss:$0x0], $0xffff;
	s19 =	sadd.s32 s15, s31;
	v27 =	vmov s4;
	v13 =	vadd.f32 v13, v29;
	v35 =	vshra.s32 v25, $0x1  }
0x78: {  	s22 =	sadd.s32 s15, s24;
	v40 =	vld.msk [tilespmem:s19+$0x0 ss:$0x0], $0xffff;
	v36 =	vmul.f32 $5.000000000e-01, v25;
	v24 =	vmul.f32 v26, v24;
	v15 =	vmax.f32 v15, $0.0e+00  }
0x79: {  	v41 =	vld.msk [tilespmem:s22+$0x0 ss:$0x0], $0xffff;
	v35 =	vsub.s32 $0x5F3759DF, v35;
	v33 =	vshra.s32 v13, $0x1;
	v28 =	vpop (erf);
	v15 =	vmin.f32 v15, $3.000000000e+00  }
0x7a: {  	v43 =	vld.idx.msk [tilespmem:v34+s25+$0x0], $0xffff;
	s4 =	sadd.s32 $0x2, s21;
	v38 =	vmul.f32 $5.000000000e-01, v13;
	v10 =	vadd.f32 v10, v10;
	v30 =	vpop (erf);
	v22 =	vmul.f32 v15, v22  }
0x7b: {  	s23 =	sadd.s32 s15, s4;
	v29 =	vld [tilespmem:s11+$0x10];
	v33 =	vsub.s32 $0x5F3759DF, v33;
	v28 =	vmul.f32 v28, v9;
	v30 =	vmul.f32 v30, v8  }
0x7c: {  	v62 =	vld.msk [tilespmem:s23+$0x0 ss:$0x0], $0xffff;
	v38 =	vmul.f32 v33, v38;
	v9 =	vsub.f32 $1.500000000e+00, v24;
	v10 =	vadd.f32 v22, v10  }
0x7d: {  	s29 =	simm.s32 $0x2;
	s16 =	sadd.s32 $0x2, s18;
	v37 =	vld.idx.msk [tilespmem:v11+s3+$0x0], $0xffff;
	v8 =	vadd.f32 v8, v8;
	v28 =	vmax.f32 v28, $0.0e+00;
	v18 =	vpop (erf);
	v30 =	vmax.f32 v30, $0.0e+00  }
0x7e: {  	s19 =	sand.u32 $0x7FF8, s16;
	s22 =	sand.u32 $0x6, s29;
	v39 =	vld.idx.msk [tilespmem:v19+s25+$0x0], $0xffff;
	v18 =	vmul.f32 v18, v5;
	v30 =	vmin.f32 v30, $3.000000000e+00;
	v10 =	vmul.f32 v10, v15  }
0x7f: {  	s5 =	sor.u32 s22, s19;
	v61 =	vld.idx.msk [tilespmem:v19+s3+$0x0], $0xffff;
	v28 =	vmin.f32 v28, $3.000000000e+00;
	v15 =	vmul.f32 v30, v20;
	v20 =	vmul.f32 v33, v38  }
0x80: {  	v24 =	vld.msk [tilespmem:s5+$0x2720 ss:$0x0], $0xffff;
	v5 =	vadd.f32 v5, v5;
	v44 =	vmul.f32 v28, v12;
	v18 =	vmax.f32 v18, $0.0e+00  }
0x81: {  	v22 =	vld.idx.msk [tilespmem:v11+s25+$0x0], $0xffff;
	v18 =	vmin.f32 v18, $3.000000000e+00;
	v10 =	vadd.f32 v10, v13;
	v20 =	vsub.f32 $1.500000000e+00, v20  }
0x82: {  	v12 =	vmul.f32 v26, v9;
	v26 =	vld.idx.msk [tilespmem:v19+s26+$0x0], $0xffff;
	v8 =	vadd.f32 v15, v8;
	v6 =	vmul.f32 v18, v6  }
0x83: {  	v36 =	vmul.f32 v35, v36;
	v13 =	vld.idx.msk [tilespmem:v29+s28+$0x0], $0xffff;
	vm1 =	vlt.f32 v10, v1;
	v10 =	vmul.f32 v33, v20  }
0x84: {  	v42 =	vmul.f32 v2, v2;
	v8 =	vmul.f32 v8, v30;
	v20 =	vld.idx.msk [tilespmem:v19+s28+$0x0], $0xffff;
	v5 =	vadd.f32 v6, v5  }
0x85: {  	v15 =	vmul.f32 v35, v36;
	v30 =	vld.msk [tilespmem:s5+$0x0 ss:$0x0], $0xffff;
	v6 =	vnsel vm1, $0x0, v10  }
0x86: {  	v10 =	vld.msk [tilespmem:s5+$0xC3A0 ss:$0x0], $0xffff;
	v5 =	vmul.f32 v5, v18;
	v8 =	vadd.f32 v8, v21;
	v21 =	vadd.f32 v31, v42  }
0x87: {  	v18 =	vmul.f32 v6, v17;
	v17 =	vsub.f32 $1.500000000e+00, v15;
	v15 =	vmul.f32 v6, v14;
	v14 =	vld.idx.msk [tilespmem:v11+s28+$0x0], $0xffff  }
0x88: {  	v51 =	vsub.f32 v40, v13;
	v11 =	vld.idx.msk [tilespmem:v11+s26+$0x0], $0xffff;
	v25 =	vadd.f32 v5, v25;
	v5 =	vand.u32 $0xFFFFFFFE, v27  }
0x89: {  	vm1 =	vlt.f32 v8, v1;
	v48 =	vmul.f32 $5.000000000e-01, v21;
	v27 =	vmul.f32 v35, v17;
	v17 =	vld.msk [tilespmem:s5+$0x9C80 ss:$0x0], $0xffff  }
0x8a: {  	v45 =	vmul.f32 v51, v51;
	v6 =	vsub.f32 v30, v37;
	v9 =	vsub.f32 v30, v61;
	v30 =	vld.idx.msk [tilespmem:v29+s3+$0x0], $0xffff  }
0x8b: {  	v31 =	vnsel vm1, $0x0, v12;
	v12 =	vsub.f32 v24, v39;
	vm1 =	vlt.f32 v25, v1;
	v25 =	vld.idx.msk [tilespmem:v29+s25+$0x0], $0xffff  }
0x8c: {  	v5 =	vbroadcast v5, $0x0;
	v8 =	vsub.f32 v10, v20;
	v20 =	vld.idx.msk [tilespmem:v29+s26+$0x0], $0xffff;
	v29 =	vmul.f32 v31, v7  }
0x8d: {  	v7 =	vsub.f32 v24, v22;
	v46 =	vmul.f32 v6, v6;
	v14 =	vsub.f32 v10, v14  }
0x8e: {  	v49 =	vmul.f32 v8, v8;
	v19 =	vmul.f32 v8, v12;
	v8 =	vsub.f32 v62, v43  }
0x8f: {  	v47 =	vmul.f32 v7, v7;
	v43 =	vnsel vm1, $0x0, v27;
	v24 =	vsub.f32 v17, v26  }
0x90: {  	v26 =	vshra.s32 v21, $0x1;
	v53 =	vmul.f32 v14, v14;
	v10 =	vsub.f32 v41, v30  }
0x91: {  	v50 =	vld.idx.msk [tilespmem:v34+s3+$0x0], $0xffff;
	s23 =	simm.s32 $0x1;
	v33 =	vmul.f32 v14, v7;
	v36 =	vsub.f32 v17, v11;
	v54 =	vsub.f32 v32, v20  }
0x92: {  	v22 =	vld.idx.msk [tilespmem:v34+s28+$0x0], $0xffff;
	v11 =	vmov s23;
	v23 =	vmul.f32 v43, v23;
	v30 =	vmul.f32 v8, v8  }
0x93: {  	v52 =	vld.idx.msk [tilespmem:v34+s26+$0x0], $0xffff;
	v13 =	vsub.f32 v62, v25;
	v25 =	vadd.f32 v44, v63;
	v57 =	vmul.f32 v54, v54  }
0x94: {  	v34 =	vsub.s32 $0x5F3759DF, v26;
	v14 =	vadd.f32 v47, v46;
	v55 =	vmul.f32 v24, v24  }
0x95: {  	v24 =	vmul.f32 v24, v9;
	v60 =	vmul.f32 v34, v48;
	v26 =	vadd.f32 v45, v57  }
0x96: {  	v20 =	vsub.f32 v41, v50;
	v61 =	vmul.f32 v36, v36;
	v41 =	vmul.f32 v31, v16  }
0x97: {  	v22 =	vsub.f32 v40, v22;
	v35 =	vmul.f32 $5.000000000e-01, v14;
	(erf) = vrcp.f32 v26  }
0x98: {  	v32 =	vsub.f32 v32, v52;
	v39 =	vmul.f32 v25, v28;
	v63 =	vmul.f32 v51, v13  }
0x99: {  	v56 =	vmul.f32 v54, v10;
	v58 =	vmul.f32 v22, v22;
	v17 =	vadd.f32 v49, v55  }
0x9a: {  	v59 =	vmul.f32 v32, v32;
	v28 =	vmul.f32 v22, v8;
	v25 =	vadd.f32 v53, v61  }
0x9b: {  	v16 =	vmov s29;
	v32 =	vmul.f32 v32, v20;
	(erf) = vrcp.f32 v17  }
0x9c: {  	v62 =	vmul.f32 v34, v60;
	v22 =	vadd.f32 v58, v59;
	(erf) = vrcp.f32 v25  }
0x9d: {  	s9 =	sadd.s32 s15, s13;
	s13 =	sshll.u32 s8, $0xE;
	v37 =	vshra.s32 v14, $0x1;
	v38 =	vmul.f32 v13, v13;
	v28 =	vadd.f32 v28, v32  }
0x9e: {  	s12 =	sadd.s32 s15, s12;
	s11 =	sadd.s32 $0x40, s11;
	s5 =	simm.s32 $0x4;
	v42 =	vsub.f32 $1.500000000e+00, v62;
	v40 =	vadd.f32 v63, v56;
	(erf) = vrcp.f32 v22  }
.LBB2_3:
0x9f: {  	v27 =	vld [tilespmem:s11+$0xFFFFFFE0];
	p1 =	slt.u32 s5, $0x1FE;
	v44 =	vmul.f32 v20, v20;
	v45 =	vmul.f32 v10, v10;
	v32 =	vadd.f32 $0.0e+00, v29;
	s17 =	smov.u32 s5;
	s5 =	sadd.s32 $0x2, s5  }
0xa0: {  	v31 =	vmul.f32 v12, v12;
	s30 =	sadd.s32 $0x2, s30;
	v43 =	vmul.f32 v43, v4;
	v46 =	vld [tilespmem:s11+$0xFFFFFFF0];
	v47 =	vpop (erf);
	v48 =	vsub.f32 $0.0e+00, v23  }
0xa1: {  	v36 =	vmul.f32 v36, v6;
	v21 =	vadd.f32 v39, v21;
	v34 =	vmul.f32 v34, v42;
	v4 =	vmovc v20;
	s22 =	sadd.s32 s15, s30;
	v29 =	vld [tilespmem:s11+$0x10]  }
0xa2: {  	v37 =	vsub.s32 $0x5F3759DF, v37;
	v39 =	vsub.f32 $0.0e+00, v41;
	v20 =	vadd.f32 $0.0e+00, v43;
	v23 =	vld.msk [tilespmem:s22+$0x0 ss:$0x0], $0xffff  }
0xa3: {  	v33 =	vadd.f32 v33, v36;
	v30 =	vadd.f32 v30, v44;
	v36 =	vmul.f32 v47, v40  }
0xa4: {  	v40 =	vadd.f32 v40, v40;
	vm1 =	vlt.f32 v21, v1;
	s22 =	sadd.s32 s17, s18;
	v18 =	vadd.f32 v18, v20;
	v41 =	vpop (erf)  }
0xa5: {  	s31 =	sadd.s32 $0x2, s31;
	s23 =	sand.u32 $0x6, s17;
	v21 =	vmul.f32 v37, v35;
	s22 =	sand.u32 $0x7FF8, s22;
	v35 =	vmax.f32 v36, $0.0e+00;
	v36 =	vadd.f32 v38, v45;
	v38 =	vpop (erf)  }
0xa6: {  	v34 =	vnsel vm1, $0x0, v34;
	v15 =	vsub.f32 v48, v15;
	s22 =	sor.u32 s23, s22;
	v20 =	vld [tilespmem:s11+$0x0];
	v38 =	vmul.f32 v38, v33  }
0xa7: {  	s4 =	sadd.s32 $0x2, s4;
	s24 =	sadd.s32 $0x2, s24;
	v45 =	vmul.f32 v34, v3;
	v35 =	vmin.f32 v35, $3.000000000e+00;
	v43 =	vshra.s32 v36, $0x1;
	v42 =	vld.idx.msk [tilespmem:v27+s3+$0x0], $0xffff;
	v44 =	vpop (erf)  }
0xa8: {  	s16 =	sadd.s32 s15, s31;
	v48 =	vshra.s32 v30, $0x1;
	v49 =	vmul.f32 $5.000000000e-01, v30;
	v34 =	vmul.f32 v34, v2;
	v2 =	vmovc v9;
	s23 =	sadd.s32 s15, s24;
	v47 =	vld.idx.msk [tilespmem:v46+s25+$0x0], $0xffff;
	(xrf2) =	vadd.scan.msk.f32 $0xffff, v15  }
0xa9: {  	v3 =	vmovc v12;
	v51 =	vmul.f32 v35, v26;
	v52 =	vmul.f32 $5.000000000e-01, v36;
	v15 =	vadd.f32 v28, v28;
	v50 =	vld.idx.msk [tilespmem:v27+s25+$0x0], $0xffff  }
0xaa: {  	s19 =	sadd.s32 s15, s4;
	v12 =	vadd.f32 v19, v24;
	v19 =	vsub.s32 $0x5F3759DF, v48;
	v24 =	vsub.s32 $0x5F3759DF, v43;
	v26 =	vld.msk [tilespmem:s16+$0x0 ss:$0x0], $0xffff  }
0xab: {  	v48 =	vmul.f32 v19, v49;
	v40 =	vadd.f32 v51, v40;
	v38 =	vmax.f32 v38, $0.0e+00;
	v43 =	vld.idx.msk [tilespmem:v29+s26+$0x0], $0xffff  }
0xac: {  	v39 =	vsub.f32 v39, v45;
	v28 =	vmul.f32 v44, v28;
	v44 =	vmul.f32 v24, v52;
	v49 =	vld.msk [tilespmem:s23+$0x0 ss:$0x0], $0xffff  }
0xad: {  	v33 =	vadd.f32 v33, v33;
	v38 =	vmin.f32 v38, $3.000000000e+00;
	v35 =	vmul.f32 v40, v35;
	v45 =	vld.idx.msk [tilespmem:v46+s3+$0x0], $0xffff  }
0xae: {  	v25 =	vmul.f32 v38, v25;
	v28 =	vmax.f32 v28, $0.0e+00;
	v44 =	vmul.f32 v24, v44;
	v40 =	vld.idx.msk [tilespmem:v29+s28+$0x0], $0xffff;
	(xrf2) =	vadd.scan.msk.f32 $0xffff, v39  }
0xaf: {  	v51 =	vmul.f32 v41, v12;
	v28 =	vmin.f32 v28, $3.000000000e+00;
	v35 =	vadd.f32 v35, v36;
	v39 =	vld.msk [tilespmem:s19+$0x0 ss:$0x0], $0xffff  }
0xb0: {  	v25 =	vadd.f32 v25, v33;
	v33 =	vmul.f32 v19, v48;
	v44 =	vsub.f32 $1.500000000e+00, v44;
	v36 =	vld.idx.msk [tilespmem:v20+s25+$0x0], $0xffff  }
0xb1: {  	v9 =	vmul.f32 v9, v2;
	v22 =	vmul.f32 v28, v22;
	vm1 =	vlt.f32 v35, v1;
	v48 =	vld.idx.msk [tilespmem:v46+s26+$0x0], $0xffff  }
0xb2: {  	v25 =	vmul.f32 v25, v38;
	v38 =	vmax.f32 v51, $0.0e+00;
	v24 =	vmul.f32 v24, v44;
	v35 =	vld.idx.msk [tilespmem:v46+s28+$0x0], $0xffff;
	v41, _, _ =	vpop (xrf2);
	(xrf2) =	vadd.scan.msk.f32 $0xffff, v18  }
0xb3: {  	v18 =	vmul.f32 v37, v21;
	v46 =	vadd.f32 v12, v12;
	v12 =	vadd.f32 v22, v15;
	v44 =	vld.msk [tilespmem:s22+$0x0 ss:$0x0], $0xffff  }
0xb4: {  	v33 =	vsub.f32 $1.500000000e+00, v33;
	v38 =	vmin.f32 v38, $3.000000000e+00;
	v15 =	vnsel vm1, $0x0, v24;
	v22 =	vld.msk [tilespmem:s22+$0xC3A0 ss:$0x0], $0xffff;
	[tilespmem:v11+s0+$0x0] =	vst.idx.msk vm0, v41  }
0xb5: {  	v21 =	vsub.f32 $1.500000000e+00, v18;
	v41 =	vmul.f32 v12, v28;
	v18 =	vmul.f32 v15, v10;
	v24 =	vld.msk [tilespmem:s22+$0x2720 ss:$0x0], $0xffff  }
0xb6: {  	v17 =	vmul.f32 v38, v17;
	v15 =	vmul.f32 v15, v13;
	v13 =	vadd.f32 v34, v32;
	v10 =	vld.idx.msk [tilespmem:v27+s28+$0x0], $0xffff  }
0xb7: {  	v14 =	vadd.f32 v25, v14;
	v25 =	vmul.f32 v37, v21;
	v30 =	vadd.f32 v41, v30;
	v28 =	vld.msk [tilespmem:s22+$0x9C80 ss:$0x0], $0xffff  }
0xb8: {  	v16 =	vand.u32 $0xFFFFFFFE, v16;
	v21 =	vadd.f32 v31, v9;
	v31 =	vmul.f32 v19, v33;
	v32 =	vld.idx.msk [tilespmem:v20+s26+$0x0], $0xffff;
	v12, _, _ =	vpop (xrf2);
	(xrf2) =	vadd.scan.msk.f32 $0xffff, v13  }
0xb9: {  	vm1 =	vlt.f32 v14, v1;
	v13 =	vsub.f32 v44, v42;
	v9 =	vsub.f32 v44, v45;
	v33 =	vld.idx.msk [tilespmem:v29+s3+$0x0], $0xffff  }
0xba: {  	v41 =	vnsel vm1, $0x0, v25;
	v25 =	vmul.f32 $5.000000000e-01, v21;
	v14 =	vsub.f32 v22, v35;
	v34 =	vld.idx.msk [tilespmem:v29+s25+$0x0], $0xffff;
	[tilespmem:v5+s0+$0x0] =	vst.idx.msk vm0, v12  }
0xbb: {  	v16 =	vbroadcast v16, $0x0;
	vm1 =	vlt.f32 v30, v1;
	v12 =	vsub.f32 v24, v47;
	v27 =	vld.idx.msk [tilespmem:v27+s26+$0x0], $0xffff  }
0xbc: {  	v29 =	vmul.f32 v41, v6;
	v22 =	vsub.f32 v22, v10;
	v35 =	vmul.f32 v14, v14;
	v37 =	vld.idx.msk [tilespmem:v20+s3+$0x0], $0xffff;
	v6, _, _ =	vpop (xrf2)  }
0xbd: {  	v40 =	vsub.f32 v26, v40;
	v44 =	vsub.f32 v24, v50;
	v19 =	vmul.f32 v14, v12;
	v14 =	vld.idx.msk [tilespmem:v20+s28+$0x0], $0xffff  }
0xbe: {  	v45 =	vsub.f32 v39, v36;
	v36 =	vshra.s32 v21, $0x1;
	v24 =	vsub.f32 v28, v48;
	[tilespmem:v11+s2+$0x0] =	vst.idx.msk vm0, v6  }
0xbf: {  	v42 =	vmul.f32 v22, v22;
	v10 =	vsub.f32 v49, v33;
	v11 =	vmul.f32 v40, v40;
	v6 =	vmovc v13  }
0xc0: {  	v48 =	vmul.f32 v44, v44;
	v33 =	vsub.f32 v23, v43;
	v47 =	vmul.f32 v13, v6  }
0xc1: {  	v30 =	vmul.f32 v45, v45;
	v13 =	vsub.f32 v39, v34;
	v39 =	vadd.f32 v17, v46  }
0xc2: {  	v17 =	vmul.f32 v24, v24;
	v46 =	vmul.f32 v33, v10;
	v20 =	vsub.f32 v49, v37;
	v37, _, _ =	vpop (xrf2)  }
0xc3: {  	v34 =	vsub.s32 $0x5F3759DF, v36;
	v43 =	vsub.f32 v26, v14;
	v14 =	vmul.f32 v33, v33;
	[tilespmem:v5+s2+$0x0] =	vst.idx.msk vm0, v37  }
0xc4: {  	v23 =	vsub.f32 v23, v32;
	v24 =	vmul.f32 v24, v9;
	v33 =	vmul.f32 v22, v44;
	v5 =	vmovc v16  }
0xc5: {  	v36 =	vsub.f32 v28, v27;
	v16 =	vmul.f32 v43, v43;
	v26 =	vadd.f32 v11, v14  }
0xc6: {  	v27 =	vmul.f32 v34, v25;
	v22 =	vmul.f32 v23, v23;
	v14 =	vadd.f32 v48, v47  }
0xc7: {  	s16 =	sadd.s32 $0x1, s29;
	s29 =	smov.u32 s17;
	v17 =	vadd.f32 v35, v17;
	v25 =	vmul.f32 v36, v36;
	(erf) = vrcp.f32 v26  }
0xc8: {  	v39 =	vmul.f32 v39, v38;
	v11 =	vmov s16;
	v35 =	vmul.f32 $5.000000000e-01, v14  }
0xc9: {  	v28 =	vmul.f32 v43, v45;
	v37 =	vshra.s32 v14, $0x1;
	v22 =	vadd.f32 v16, v22  }
.Ltmp0:
0xca: {  	v25 =	vadd.f32 v42, v25;
	v16 =	vmul.f32 v23, v20;
	v23 =	vmul.f32 v34, v27;
	(pc) =	sbr.rel @p1 .LBB2_3-.Ltmp0, $4  }
0xcb: {  	v43 =	vnsel vm1, $0x0, v31;
	v27 =	vmul.f32 v40, v13;
	(erf) = vrcp.f32 v17  }
0xcc: {  	v28 =	vadd.f32 v28, v16;
	v42 =	vsub.f32 $1.500000000e+00, v23;
	(erf) = vrcp.f32 v25  }
0xcd: {  	v41 =	vmul.f32 v41, v7;
	v7 =	vmovc v44;
	v38 =	vmul.f32 v13, v13;
	v40 =	vadd.f32 v27, v46  }
0xce: {  	s11 =	sadd.s32 $0x40, s11;
	v16 =	vmov s29;
	v23 =	vmul.f32 v43, v8;
	v8 =	vmovc v45;
	(erf) = vrcp.f32 v22  }
0xcf: {  	v27 =	vmul.f32 v20, v20  }
0xd0: {  	v31 =	vmul.f32 v10, v10;
	v32 =	vmul.f32 v12, v12  }
0xd1: {  	v29 =	vadd.f32 $0.0e+00, v29;
	v4 =	vmul.f32 v43, v4;
	v36 =	vmul.f32 v36, v6  }
0xd2: {  	v21 =	vadd.f32 v39, v21;
	v34 =	vmul.f32 v34, v42;
	v41 =	vsub.f32 $0.0e+00, v41  }
0xd3: {  	v37 =	vsub.s32 $0x5F3759DF, v37;
	v49 =	vadd.f32 v40, v40;
	v58 =	vadd.f32 v28, v28  }
0xd4: {  	v19 =	vadd.f32 v19, v24;
	v43 =	vmul.f32 v9, v9;
	v23 =	vsub.f32 $0.0e+00, v23  }
0xd5: {  	v47 =	vpop (erf);
	v51 =	vmul.f32 v37, v35;
	v4 =	vadd.f32 $0.0e+00, v4;
	v33 =	vadd.f32 v33, v36  }
0xd6: {  	v27 =	vadd.f32 v30, v27;
	v48 =	vmul.f32 v47, v40;
	vm1 =	vlt.f32 v21, v1  }
0xd7: {  	v53 =	vadd.f32 v38, v31;
	v46 =	vadd.f32 v32, v43;
	v34 =	vnsel vm1, $0x0, v34  }
0xd8: {  	v15 =	vsub.f32 v23, v15;
	v4 =	vadd.f32 v18, v4;
	v52 =	vmax.f32 v48, $0.0e+00  }
0xd9: {  	v55 =	vshra.s32 v53, $0x1;
	v3 =	vmul.f32 v34, v3;
	v57 =	vmul.f32 $5.000000000e-01, v27  }
0xda: {  	v56 =	vshra.s32 v27, $0x1;
	v2 =	vmul.f32 v34, v2;
	v59 =	vmul.f32 $5.000000000e-01, v53  }
0xdb: {  	v18 =	vmul.f32 v37, v51;
	v47 =	vmul.f32 $5.000000000e-01, v46;
	v32 =	vshra.s32 v46, $0x1;
	v50 =	vpop (erf)  }
0xdc: {  	v21 =	vmin.f32 v52, $3.000000000e+00;
	v60 =	vsub.s32 $0x5F3759DF, v56;
	v23 =	vsub.s32 $0x5F3759DF, v55;
	v54 =	vpop (erf)  }
0xdd: {  	v32 =	vsub.s32 $0x5F3759DF, v32;
	v26 =	vmul.f32 v21, v26;
	v31 =	vmul.f32 v54, v33  }
0xde: {  	v38 =	vmul.f32 v60, v57;
	v63 =	vmul.f32 v23, v59;
	v3 =	vsub.f32 v41, v3;
	v61 =	vpop (erf)  }
0xdf: {  	v41 =	vmul.f32 v50, v19;
	v31 =	vmax.f32 v31, $0.0e+00;
	v62 =	vmul.f32 v61, v28  }
0xe0: {  	v19 =	vadd.f32 v19, v19;
	v26 =	vadd.f32 v26, v49;
	v31 =	vmin.f32 v31, $3.000000000e+00  }
0xe1: {  	v33 =	vadd.f32 v33, v33;
	v25 =	vmul.f32 v31, v25;
	v36 =	vmax.f32 v62, $0.0e+00  }
0xe2: {  	v48 =	vmul.f32 v32, v47;
	v21 =	vmul.f32 v26, v21;
	v26 =	vmin.f32 v36, $3.000000000e+00  }
0xe3: {  	v18 =	vsub.f32 $1.500000000e+00, v18;
	v25 =	vadd.f32 v25, v33;
	v22 =	vmul.f32 v26, v22  }
0xe4: {  	v40 =	vmul.f32 v23, v63;
	v42 =	vmul.f32 v60, v38;
	v45 =	vmax.f32 v41, $0.0e+00  }
0xe5: {  	v44 =	vmul.f32 v25, v31;
	v22 =	vadd.f32 v22, v58;
	v25 =	vmin.f32 v45, $3.000000000e+00  }
0xe6: {  	v2 =	vadd.f32 v2, v29;
	v50 =	vmul.f32 v32, v48;
	v17 =	vmul.f32 v25, v17  }
0xe7: {  	v28 =	vsub.f32 $1.500000000e+00, v40;
	v30 =	vsub.f32 $1.500000000e+00, v42;
	v22 =	vmul.f32 v22, v26  }
0xe8: {  	v18 =	vmul.f32 v37, v18;
	v21 =	vadd.f32 v21, v53;
	v17 =	vadd.f32 v17, v19  }
0xe9: {  	v23 =	vmul.f32 v23, v28;
	v51 =	vmul.f32 v60, v30;
	v49 =	vadd.f32 v22, v27  }
0xea: {  	vm1 =	vlt.f32 v21, v1;
	v14 =	vadd.f32 v44, v14;
	v17 =	vmul.f32 v17, v25  }
0xeb: {  	v52 =	vsub.f32 $1.500000000e+00, v50;
	v23 =	vnsel vm1, $0x0, v23;
	vm1 =	vlt.f32 v49, v1  }
0xec: {  	v21 =	vnsel vm1, $0x0, v51;
	vm1 =	vlt.f32 v14, v1;
	v53 =	vadd.f32 v17, v46  }
0xed: {  	v55 =	vmul.f32 v32, v52;
	v54 =	vnsel vm1, $0x0, v18;
	v8 =	vmul.f32 v21, v8  }
0xee: {  	v13 =	vmul.f32 v23, v13;
	v7 =	vmul.f32 v54, v7;
	vm1 =	vlt.f32 v53, v1  }
0xef: {  	(xrf2) =	vadd.scan.msk.f32 $0xffff, v15;
	v56 =	vmul.f32 v21, v20;
	v8 =	vsub.f32 $0.0e+00, v8;
	v57 =	vnsel vm1, $0x0, v55  }
0xf0: {  	(xrf2) =	vadd.scan.msk.f32 $0xffff, v3;
	v3 =	vmul.f32 v54, v6;
	v58 =	vsub.f32 $0.0e+00, v7;
	v59 =	vmul.f32 v57, v12  }
0xf1: {  	(xrf2) =	vadd.scan.msk.f32 $0xffff, v4;
	v4 =	vmul.f32 v23, v10;
	v60 =	vadd.f32 $0.0e+00, v56;
	v8 =	vsub.f32 v8, v13  }
0xf2: {  	(xrf2) =	vadd.scan.msk.f32 $0xffff, v2;
	v2 =	vadd.f32 $0.0e+00, v3;
	v3 =	vmul.f32 v57, v9;
	v6 =	vsub.f32 v58, v59  }
0xf3: {  	v4 =	vadd.f32 v4, v60;
	(xrf2) =	vadd.scan.msk.f32 $0xffff, v8  }
0xf4: {  	v2 =	vadd.f32 v3, v2;
	(xrf2) =	vadd.scan.msk.f32 $0xffff, v6  }
0xf5: {  	(xrf2) =	vadd.scan.msk.f32 $0xffff, v4  }
0xf6: {  	(xrf2) =	vadd.scan.msk.f32 $0xffff, v2;
	_ =	sdelay $0x1  }
0xf7: {  	s4 =	sadd.s32 $0x1, s29;
	v2 =	vand.u32 $0xFFFFFFFE, v16  }
0xf8: {  	v3, _, _ =	vpop (xrf2);
	v4 =	vmov s4;
	v2 =	vbroadcast v2, $0x0  }
0xf9: {  	v61, _, _ =	vpop (xrf2);
	[tilespmem:v11+s0+$0x0] =	vst.idx.msk vm0, v3  }
0xfa: {  	v3, _, _ =	vpop (xrf2);
	[tilespmem:v5+s0+$0x0] =	vst.idx.msk vm0, v61  }
0xfb: {  	v62, _, _ =	vpop (xrf2);
	[tilespmem:v11+s2+$0x0] =	vst.idx.msk vm0, v3  }
0xfc: {  	[tilespmem:v5+s2+$0x0] =	vst.idx.msk vm0, v62;
	v3, _, _ =	vpop (xrf2)  }
0xfd: {  	v5, _, _ =	vpop (xrf2);
	[tilespmem:v4+s0+$0x0] =	vst.idx.msk vm0, v3  }
0xfe: {  	[tilespmem:v2+s0+$0x0] =	vst.idx.msk vm0, v5;
	v3, _, _ =	vpop (xrf2)  }
0xff: {  	[tilespmem:v4+s2+$0x0] =	vst.idx.msk vm0, v3;
	v3, _, _ =	vpop (xrf2)  }
0x100: {  	s31 =	simm.s32 $0x16AC0;
	[tilespmem:v2+s2+$0x0] =	vst.idx.msk vm0, v3  }
0x101: {  	s11 =	simm.s32 $0x16CC0;
	v2 =	vld [tilespmem:s31+$0x0]  }
0x102: {  	s5 =	simm.s32 $0x0;
	v3 =	vld [tilespmem:s11+$0x0]  }
0x103: {  	v5 =	vmov s5;
	v4 =	vld [tilespmem:s12+$0x0]  }
0x104: {  	v5 =	vshll.u32 v5, $0x3;
	v6 =	vld [tilespmem:s9+$0x0]  }
0x105: {  	v5 =	vor.u32 v0, v5  }
0x106: {  	v63 =	vor.u32 $0x1, v5;
	v2 =	vmul.f32 $2.000000030e-01, v2  }
0x107: {  	v3 =	vmul.f32 $2.000000030e-01, v3  }
0x108: {  	s30 =	sshrl.u32 s13, $0x2;
	v2 =	vadd.f32 v2, v4  }
0x109: {  	s4 =	sadd.s32 $0x16EC0, s30;
	v3 =	vadd.f32 v3, v6  }
0x10a: {  	[tilespmem:v5+s4+$0x0] =	vst.idx.msk $0xffff, v2  }
0x10b: {  	s5 =	simm.s32 $0x16AD0;
	[tilespmem:v63+s4+$0x0] =	vst.idx.msk $0xffff, v3  }
0x10c: {  	s11 =	simm.s32 $0x16CD0;
	v2 =	vld [tilespmem:s5+$0x0]  }
0x10d: {  	s13 =	simm.s32 $0x10;
	s15 =	simm.s32 $0x20;
	s12 =	sadd.s32 $0x10, s12;
	v3 =	vld [tilespmem:s11+$0x0]  }
.LBB2_5:
0x10e: {  	p1 =	sne.s32 s15, $0x1F0;
	v4 =	vld [tilespmem:s12+$0x0];
	v5 =	vmov s13;
	s9 =	sadd.s32 $0x10, s9;
	s13 =	smov.u32 s15  }
0x10f: {  	v6 =	vld [tilespmem:s9+$0x0];
	v5 =	vshll.u32 v5, $0x3  }
0x110: {  	v5 =	vor.u32 v0, v5  }
0x111: {  	v2 =	vmul.f32 $2.000000030e-01, v2;
	v7 =	vor.u32 $0x1, v5  }
0x112: {  	v3 =	vmul.f32 $2.000000030e-01, v3  }
0x113: {  	v2 =	vadd.f32 v2, v4  }
.Ltmp1:
0x114: {  	v3 =	vadd.f32 v3, v6;
	(pc) =	sbr.rel @p1 .LBB2_5-.Ltmp1, $4  }
0x115: {  	[tilespmem:v5+s4+$0x0] =	vst.idx.msk $0xffff, v2  }
0x116: {  	s5 =	sadd.s32 $0x10, s5;
	[tilespmem:v7+s4+$0x0] =	vst.idx.msk $0xffff, v3  }
0x117: {  	s11 =	sadd.s32 $0x10, s11;
	v2 =	vld [tilespmem:s5+$0x0]  }
0x118: {  	s15 =	sadd.s32 $0x10, s15;
	s12 =	sadd.s32 $0x10, s12;
	v3 =	vld [tilespmem:s11+$0x0]  }
0x119: {  	v4 =	vld [tilespmem:s12+$0x0];
	v5 =	vmov s13;
	s5 =	sadd.s32 $0x10, s9  }
0x11a: {  	v6 =	vld [tilespmem:s5+$0x0];
	v5 =	vshll.u32 v5, $0x3  }
0x11b: {  	v5 =	vor.u32 v0, v5  }
0x11c: {  	v2 =	vmul.f32 $2.000000030e-01, v2;
	v7 =	vor.u32 $0x1, v5  }
0x11d: {  	p1 =	sne.s32 s7, $0xA;
	v3 =	vmul.f32 $2.000000030e-01, v3  }
.Ltmp2:
0x11e: {  	s30 =	rddreg [dreg:$0xe];
	v2 =	vadd.f32 v2, v4;
	(pc) =	sbr.rel @p1 .LBB2_2-.Ltmp2, $4  }
0x11f: {  	s5 =	sadd.s32 s30, s10;
	v3 =	vadd.f32 v3, v6  }
0x120: {  	s8 =	sadd.s32 $0x3, s8;
	s31 =	rddreg [dreg:$0x4];
	s5 =	sand.u32 $0x1FFFFFF0, s5;
	[tilespmem:v5+s4+$0x0] =	vst.idx.msk $0xffff, v2  }
0x121: {  	s1 =	sadd.s32 $0x200, s1;
	p0 =	por !p0, !p0;
	s5 =	sadd.s32 s31, s5;
	[tilespmem:v7+s4+$0x0] =	vst.idx.msk $0xffff, v3  }
0x122: {  	[hbm4b:s5+s3] =	stream.linear.scatter [tilespmem:s4], [sflag:s8], $0x1000, $0x38;
	[tilespmem:$0x18ED0] =	vst v63  }
0x123: {  	s1 =	simm.s32 $0x3  }
0x124: {  	_ =	swait.ge [sflag:s1], $0x1000  }
0x125: {  	[sflag:s1] =	ssyncset.done $0x0  }
0x126: {  	s4 =	simm.s32 $0x4;
	[sflag:s1] =	ssyncadd.s32 $0xFFFFF000  }
0x127: {  	_ =	swait.ge [sflag:s4], $0x1000  }
0x128: {  	s5 =	rddreg [dreg:$0x13]  }
0x129: {  	s31 =	rddreg [dreg:$0xf];
	s5 =	sadd.s32 $0x1, s5  }
0x12a: {  	p0 =	sne.s32 s5, s31  }
.Ltmp3:
0x12b: {  	_ = 	snop;
	(pc) =	sbr.rel @p0 .LBB2_1-.Ltmp3, $3  }
0x12c: {  	_ =	sdelay $0x1  }
0x12d: {  	[sflag:s4] =	ssyncset.done $0x0  }
0x12e: {  	[sflag:s4] =	ssyncadd.s32 $0xFFFFF000  }
0x12f: {  	_ =	sfence.sel $0x180000  }
0x130: {  	[bflag:$0x0] =	sbarrier.arrive $0xFFFF  }
0x131: {  	_ =	strace $0x90000047  }
0x132: {  	s0 =	stileid.u32;
	[bflag:$0x2] =	sbarrier.arrive $0xFFFF  }
0x133: {  	p0 =	sne.s32 s0, $0x0;
	s0 =	rddreg [dreg:$0x2]  }
0x134: {  	s0 =	sadd.s32 @!p0 $0x100000, s0  }
0x135: {  	[sflag:s0] =	ssyncadd.tile.s32 @!p0 $0x1;
	_ =	shalt  }
.Lfunc_end2:
_tile_overlayer_lowered:
.L_overlay_start_2:
0x136: {  	(tag) =	ssettag $0x2  }
0x137: {  	s0 =	rddreg [dreg:$0x0];
	s2 =	stileid.u32  }
0x138: {  	s1 =	rddreg [dreg:$0x1];
	p0 =	sne.s32 s2, $0x0  }
0x139: {  	s3 =	rddreg [dreg:$0x2];
	[bflag:$0x3] =	sbarrier.arrive $0xFFFF;
	s2 =	simm.s32 @!p0 $0x1C05  }
0x13a: {  	[timem:s3], [sflag:s2] =	dma.local @!p0 [hbm:s0], s1  }
0x13b: {  	s0 =	simm.s32 @!p0 $0x5  }
0x13c: {  	_ =	swait.ge @!p0 [sflag:s0], s1  }
0x13d: {  	s1 =	ssub.s32 @!p0 $0x0, s1;
	[sflag:s0] =	ssyncset.done @!p0 $0x0  }
0x13e: {  	[sflag:s0] =	ssyncadd.s32 @!p0 s1  }
0x13f: {  	[bflag:$0x3] =	sbarrier.arrive $0xFFFF  }
0x140: {  	_ =	shalt  }

</sc_bundles>
